<compile_context>
chip_gen: v7x
topology: tpu7x:2x2x1
jax: 0.10.2.dev20260603
libtpu: 0.0.44.dev20260713+nightly
codegen_flags: <defaults>
</compile_context>

<pallas_src>
import functools

import jax
import jax.numpy as jnp
from jax import lax
from jax.experimental import pallas as pl
from jax.experimental.pallas import tpu as pltpu
from jax.experimental.pallas import tpu_sc as plsc

BATCH = 4096
HIST = 50
DIM = 128
VOCAB = 1000
NC = 2
NS = 16
NW = NC * NS
N_IDX = BATCH * HIST
CHUNK = BATCH // NW
NCH = HIST
NBUF = 5
STAGE_T = 16
STAGE_R = 64


def _make_gather():
    mesh = plsc.VectorSubcoreMesh(core_axis_name="c", subcore_axis_name="s")

    @functools.partial(
        pl.kernel,
        mesh=mesh,
        out_type=jax.ShapeDtypeStruct((N_IDX, DIM), jnp.float32),
        scratch_types=[
            pltpu.VMEM((NCH, CHUNK), jnp.int32),
        ] + [pltpu.VMEM((CHUNK, DIM), jnp.float32) for _ in range(NBUF)] + [
            pltpu.VMEM_SHARED((VOCAB, DIM), jnp.float32),
        ] + [pltpu.SemaphoreType.DMA for _ in range(2 * NBUF)],
    )
    def gather_k(idx_hbm, table_hbm, out_hbm, idx_v, *rest):
        bufs = rest[:NBUF]
        tab_s = rest[NBUF]
        gs = rest[NBUF + 1:2 * NBUF + 1]
        os_ = rest[2 * NBUF + 1:]
        sid = lax.axis_index("s")
        wid = sid * NC + lax.axis_index("c")
        col = pl.multiple_of(wid * CHUNK, CHUNK)

        for t in range(STAGE_T):
            nrows = min(STAGE_R, VOCAB - t * STAGE_R)

            @pl.when(sid == t)
            def _(t=t, nrows=nrows):
                pltpu.sync_copy(table_hbm.at[pl.ds(t * STAGE_R, nrows)],
                                tab_s.at[pl.ds(t * STAGE_R, nrows)])

        pltpu.sync_copy(idx_hbm.at[:, pl.ds(col, CHUNK)], idx_v)
        plsc.subcore_barrier()

        def out_slice(h):
            return out_hbm.at[pl.ds(h * BATCH + col, CHUNK)]

        for bx in range(NBUF):
            pltpu.async_copy(tab_s.at[idx_v.at[bx]], bufs[bx], gs[bx])

        def step(i, carry):
            c0 = NBUF * i
            for bx in range(NBUF):
                pltpu.make_async_copy(
                    tab_s.at[idx_v.at[c0]], bufs[bx], gs[bx]).wait()
                pltpu.async_copy(bufs[bx], out_slice(c0 + bx), os_[bx])

            @pl.when(i < NCH // NBUF - 1)
            def _():
                for bx in range(NBUF):
                    pltpu.make_async_copy(
                        bufs[bx], out_slice(c0 + bx), os_[bx]).wait()
                    pltpu.async_copy(
                        tab_s.at[idx_v.at[c0 + NBUF + bx]], bufs[bx], gs[bx])

            return carry

        lax.fori_loop(0, NCH // NBUF, step, 0, unroll=False)

        for bx in range(NBUF):
            pltpu.make_async_copy(
                bufs[bx], out_slice(NCH - NBUF + bx), os_[bx]).wait()

    return gather_k


_gather = _make_gather()


def _linear_body(x_ref, w_ref, b_ref, o_ref):
    o_ref[...] = (
        jnp.dot(x_ref[...], w_ref[...], preferred_element_type=jnp.float32)
        + b_ref[...]
    )


def _linear(image, W, b2d):
    blk = 512
    return pl.pallas_call(
        _linear_body,
        grid=(BATCH // blk,),
        in_specs=[
            pl.BlockSpec((blk, DIM), lambda i: (i, 0)),
            pl.BlockSpec((DIM, DIM), lambda i: (0, 0)),
            pl.BlockSpec((1, DIM), lambda i: (0, 0)),
        ],
        out_specs=pl.BlockSpec((blk, DIM), lambda i: (i, 0)),
        out_shape=jax.ShapeDtypeStruct((BATCH, DIM), jnp.float32),
    )(image, W, b2d)


def kernel(text, image, table, W, b):
    idx = text.astype(jnp.int32).T
    rows = _gather(idx, table)
    text_embedding = rows.reshape(HIST, BATCH, DIM).transpose(1, 0, 2)
    image_embedding = _linear(image, W, b.reshape(1, DIM))
    return (text_embedding, image_embedding)

# --- scband reference (transcript-rebuilt; emitter-appended) ---
"""Pipeline reference for scband-dalle-45148696216778 (READ-ONLY COPY).

The authoritative reference and input builder live on the scoring server;
editing this copy changes nothing except your own understanding.
"""

import jax, jax.numpy as jnp
import numpy as np

VOCAB = 1000
DIM = 128
BATCH = 4096
HIST = 50

def setup_inputs(seed: int = 0) -> dict:
    key = jax.random.key(seed)
    k1, k2, k3, k4, k5 = jax.random.split(key, 5)
    text = jax.random.randint(k1, (BATCH, HIST), 0, VOCAB, dtype=jnp.int64 if jax.config.jax_enable_x64 else jnp.int32)
    image = jax.random.normal(k2, (BATCH, DIM), dtype=jnp.float32)
    table = jax.random.normal(k3, (VOCAB, DIM), dtype=jnp.float32) * 0.02
    W = jax.random.normal(k4, (DIM, DIM), dtype=jnp.float32) * (1.0 / np.sqrt(DIM))
    b = jax.random.normal(k5, (DIM,), dtype=jnp.float32) * 0.01
    return {"text": text, "image": image, "table": table, "W": W, "b": b}

def reference(text, image, table, W, b):
    # text_embedding = nn.Embedding(1000, 128)(text)  -> gather rows
    text_embedding = jnp.take(table, text, axis=0)
    # image_embedding = nn.Linear(128, 128)(image)
    image_embedding = image @ W + b
    return (text_embedding, image_embedding)

if __name__ == "__main__":
    import jax
    _d = setup_inputs()
    print(jax.jit(kernel)(*tuple(_d.values())))

</pallas_src>

<mosaic_0001>
#map = affine_map<(d0, d1) -> (0, 0)>
module attributes {stable_mosaic.version = 14 : i64} {
  func.func @gather_k(%arg0: i32, %arg1: i32, %arg2: memref<50x4096xi32, #tpu.memory_space<hbm>>, %arg3: memref<1000x128xf32, #tpu.memory_space<hbm>>, %arg4: memref<204800x128xf32, #tpu.memory_space<hbm>>, %arg5: memref<50x128xi32, #tpu.memory_space<vmem>>, %arg6: memref<128x128xf32, #tpu.memory_space<vmem>>, %arg7: memref<128x128xf32, #tpu.memory_space<vmem>>, %arg8: memref<128x128xf32, #tpu.memory_space<vmem>>, %arg9: memref<128x128xf32, #tpu.memory_space<vmem>>, %arg10: memref<128x128xf32, #tpu.memory_space<vmem>>, %arg11: memref<1000x128xf32, #tpu.memory_space<vmem_shared>>, %arg12: memref<!tpu.dma_semaphore, #tpu.memory_space<semaphore_mem>>, %arg13: memref<!tpu.dma_semaphore, #tpu.memory_space<semaphore_mem>>, %arg14: memref<!tpu.dma_semaphore, #tpu.memory_space<semaphore_mem>>, %arg15: memref<!tpu.dma_semaphore, #tpu.memory_space<semaphore_mem>>, %arg16: memref<!tpu.dma_semaphore, #tpu.memory_space<semaphore_mem>>, %arg17: memref<!tpu.dma_semaphore, #tpu.memory_space<semaphore_mem>>, %arg18: memref<!tpu.dma_semaphore, #tpu.memory_space<semaphore_mem>>, %arg19: memref<!tpu.dma_semaphore, #tpu.memory_space<semaphore_mem>>, %arg20: memref<!tpu.dma_semaphore, #tpu.memory_space<semaphore_mem>>, %arg21: memref<!tpu.dma_semaphore, #tpu.memory_space<semaphore_mem>>) attributes {dimension_semantics = [#tpu.dimension_semantics<core_parallel>, #tpu.dimension_semantics<subcore_parallel>], iteration_bounds = array<i64: 2, 16>, scalar_prefetch = 0 : i64, scratch_operands = 17 : i64, tpu.core_type = #tpu.core_type<sc_vector_subcore>, window_params = [{transform_indices = #map}, {transform_indices = #map}, {transform_indices = #map}]} {
    %mul3A = arith.constant 2 : i32
    %mul3A_0 = arith.muli %arg1, %mul3A : i32
    %add3A = arith.addi %mul3A_0, %arg0 : i32
    %mul3A_1 = arith.constant 128 : i32
    %mul3A_2 = arith.muli %add3A, %mul3A_1 : i32
    %multiple_of3A = tpu.assume_multiple %mul3A_2, 128 : i32
    %eq3A = arith.constant 0 : i32
    %eq3A_3 = arith.cmpi eq, %arg1, %eq3A : i32
    %convert_element_type3A = arith.extui %eq3A_3 : i1 to i32
    %cond3A = arith.constant 0 : i32
    %cond3A_4 = arith.cmpi ne, %convert_element_type3A, %cond3A : i32
    scf.if %cond3A_4 {
      "tpu.region"() ({
        %run_scoped3A = tpu.sem_alloc : memref<!tpu.dma_semaphore, #tpu.memory_space<semaphore_mem>>
        %dma_start3A_148 = arith.constant 0 : i32
        %dma_start3A_149 = arith.constant 0 : i32
        %dma_start3A_150 = tpu.memref_slice %arg11[%dma_start3A_148, %dma_start3A_149] : memref<1000x128xf32, #tpu.memory_space<vmem_shared>> -> memref<64x128xf32, #tpu.memory_space<vmem_shared>>
        %dma_start3A_151 = arith.constant 0 : i32
        %dma_start3A_152 = arith.constant 0 : i32
        %dma_start3A_153 = tpu.memref_slice %arg3[%dma_start3A_151, %dma_start3A_152] : memref<1000x128xf32, #tpu.memory_space<hbm>> -> memref<64x128xf32, #tpu.memory_space<hbm>>
        tpu.enqueue_dma source(%dma_start3A_153 : memref<64x128xf32, #tpu.memory_space<hbm>>) target(%dma_start3A_150 : memref<64x128xf32, #tpu.memory_space<vmem_shared>>) target_semaphore(%run_scoped3A : memref<!tpu.dma_semaphore, #tpu.memory_space<semaphore_mem>>)
        %dma_wait3A_154 = arith.constant 0 : i32
        %dma_wait3A_155 = arith.constant 0 : i32
        %dma_wait3A_156 = tpu.memref_slice %arg11[%dma_wait3A_154, %dma_wait3A_155] : memref<1000x128xf32, #tpu.memory_space<vmem_shared>> -> memref<64x128xf32, #tpu.memory_space<vmem_shared>>
        %dma_wait3A_157 = arith.constant 0 : i32
        %dma_wait3A_158 = arith.constant 0 : i32
        %dma_wait3A_159 = tpu.memref_slice %arg3[%dma_wait3A_157, %dma_wait3A_158] : memref<1000x128xf32, #tpu.memory_space<hbm>> -> memref<64x128xf32, #tpu.memory_space<hbm>>
        tpu.wait_dma2 semaphore(%run_scoped3A : memref<!tpu.dma_semaphore, #tpu.memory_space<semaphore_mem>>) src(%dma_wait3A_159 : memref<64x128xf32, #tpu.memory_space<hbm>>) dst(%dma_wait3A_156 : memref<64x128xf32, #tpu.memory_space<vmem_shared>>)
        tpu.yield
      }) : () -> ()
    } else {
    }
    %eq3A_5 = arith.constant 1 : i32
    %eq3A_6 = arith.cmpi eq, %arg1, %eq3A_5 : i32
    %convert_element_type3A_7 = arith.extui %eq3A_6 : i1 to i32
    %cond3A_8 = arith.constant 0 : i32
    %cond3A_9 = arith.cmpi ne, %convert_element_type3A_7, %cond3A_8 : i32
    scf.if %cond3A_9 {
      "tpu.region"() ({
        %run_scoped3A = tpu.sem_alloc : memref<!tpu.dma_semaphore, #tpu.memory_space<semaphore_mem>>
        %dma_start3A_148 = arith.constant 64 : i32
        %dma_start3A_149 = arith.constant 0 : i32
        %dma_start3A_150 = tpu.memref_slice %arg11[%dma_start3A_148, %dma_start3A_149] : memref<1000x128xf32, #tpu.memory_space<vmem_shared>> -> memref<64x128xf32, #tpu.memory_space<vmem_shared>>
        %dma_start3A_151 = arith.constant 64 : i32
        %dma_start3A_152 = arith.constant 0 : i32
        %dma_start3A_153 = tpu.memref_slice %arg3[%dma_start3A_151, %dma_start3A_152] : memref<1000x128xf32, #tpu.memory_space<hbm>> -> memref<64x128xf32, #tpu.memory_space<hbm>>
        tpu.enqueue_dma source(%dma_start3A_153 : memref<64x128xf32, #tpu.memory_space<hbm>>) target(%dma_start3A_150 : memref<64x128xf32, #tpu.memory_space<vmem_shared>>) target_semaphore(%run_scoped3A : memref<!tpu.dma_semaphore, #tpu.memory_space<semaphore_mem>>)
        %dma_wait3A_154 = arith.constant 64 : i32
        %dma_wait3A_155 = arith.constant 0 : i32
        %dma_wait3A_156 = tpu.memref_slice %arg11[%dma_wait3A_154, %dma_wait3A_155] : memref<1000x128xf32, #tpu.memory_space<vmem_shared>> -> memref<64x128xf32, #tpu.memory_space<vmem_shared>>
        %dma_wait3A_157 = arith.constant 64 : i32
        %dma_wait3A_158 = arith.constant 0 : i32
        %dma_wait3A_159 = tpu.memref_slice %arg3[%dma_wait3A_157, %dma_wait3A_158] : memref<1000x128xf32, #tpu.memory_space<hbm>> -> memref<64x128xf32, #tpu.memory_space<hbm>>
        tpu.wait_dma2 semaphore(%run_scoped3A : memref<!tpu.dma_semaphore, #tpu.memory_space<semaphore_mem>>) src(%dma_wait3A_159 : memref<64x128xf32, #tpu.memory_space<hbm>>) dst(%dma_wait3A_156 : memref<64x128xf32, #tpu.memory_space<vmem_shared>>)
        tpu.yield
      }) : () -> ()
    } else {
    }
    %eq3A_10 = arith.constant 2 : i32
    %eq3A_11 = arith.cmpi eq, %arg1, %eq3A_10 : i32
    %convert_element_type3A_12 = arith.extui %eq3A_11 : i1 to i32
    %cond3A_13 = arith.constant 0 : i32
    %cond3A_14 = arith.cmpi ne, %convert_element_type3A_12, %cond3A_13 : i32
    scf.if %cond3A_14 {
      "tpu.region"() ({
        %run_scoped3A = tpu.sem_alloc : memref<!tpu.dma_semaphore, #tpu.memory_space<semaphore_mem>>
        %dma_start3A_148 = arith.constant 128 : i32
        %dma_start3A_149 = arith.constant 0 : i32
        %dma_start3A_150 = tpu.memref_slice %arg11[%dma_start3A_148, %dma_start3A_149] : memref<1000x128xf32, #tpu.memory_space<vmem_shared>> -> memref<64x128xf32, #tpu.memory_space<vmem_shared>>
        %dma_start3A_151 = arith.constant 128 : i32
        %dma_start3A_152 = arith.constant 0 : i32
        %dma_start3A_153 = tpu.memref_slice %arg3[%dma_start3A_151, %dma_start3A_152] : memref<1000x128xf32, #tpu.memory_space<hbm>> -> memref<64x128xf32, #tpu.memory_space<hbm>>
        tpu.enqueue_dma source(%dma_start3A_153 : memref<64x128xf32, #tpu.memory_space<hbm>>) target(%dma_start3A_150 : memref<64x128xf32, #tpu.memory_space<vmem_shared>>) target_semaphore(%run_scoped3A : memref<!tpu.dma_semaphore, #tpu.memory_space<semaphore_mem>>)
        %dma_wait3A_154 = arith.constant 128 : i32
        %dma_wait3A_155 = arith.constant 0 : i32
        %dma_wait3A_156 = tpu.memref_slice %arg11[%dma_wait3A_154, %dma_wait3A_155] : memref<1000x128xf32, #tpu.memory_space<vmem_shared>> -> memref<64x128xf32, #tpu.memory_space<vmem_shared>>
        %dma_wait3A_157 = arith.constant 128 : i32
        %dma_wait3A_158 = arith.constant 0 : i32
        %dma_wait3A_159 = tpu.memref_slice %arg3[%dma_wait3A_157, %dma_wait3A_158] : memref<1000x128xf32, #tpu.memory_space<hbm>> -> memref<64x128xf32, #tpu.memory_space<hbm>>
        tpu.wait_dma2 semaphore(%run_scoped3A : memref<!tpu.dma_semaphore, #tpu.memory_space<semaphore_mem>>) src(%dma_wait3A_159 : memref<64x128xf32, #tpu.memory_space<hbm>>) dst(%dma_wait3A_156 : memref<64x128xf32, #tpu.memory_space<vmem_shared>>)
        tpu.yield
      }) : () -> ()
    } else {
    }
    %eq3A_15 = arith.constant 3 : i32
    %eq3A_16 = arith.cmpi eq, %arg1, %eq3A_15 : i32
    %convert_element_type3A_17 = arith.extui %eq3A_16 : i1 to i32
    %cond3A_18 = arith.constant 0 : i32
    %cond3A_19 = arith.cmpi ne, %convert_element_type3A_17, %cond3A_18 : i32
    scf.if %cond3A_19 {
      "tpu.region"() ({
        %run_scoped3A = tpu.sem_alloc : memref<!tpu.dma_semaphore, #tpu.memory_space<semaphore_mem>>
        %dma_start3A_148 = arith.constant 192 : i32
        %dma_start3A_149 = arith.constant 0 : i32
        %dma_start3A_150 = tpu.memref_slice %arg11[%dma_start3A_148, %dma_start3A_149] : memref<1000x128xf32, #tpu.memory_space<vmem_shared>> -> memref<64x128xf32, #tpu.memory_space<vmem_shared>>
        %dma_start3A_151 = arith.constant 192 : i32
        %dma_start3A_152 = arith.constant 0 : i32
        %dma_start3A_153 = tpu.memref_slice %arg3[%dma_start3A_151, %dma_start3A_152] : memref<1000x128xf32, #tpu.memory_space<hbm>> -> memref<64x128xf32, #tpu.memory_space<hbm>>
        tpu.enqueue_dma source(%dma_start3A_153 : memref<64x128xf32, #tpu.memory_space<hbm>>) target(%dma_start3A_150 : memref<64x128xf32, #tpu.memory_space<vmem_shared>>) target_semaphore(%run_scoped3A : memref<!tpu.dma_semaphore, #tpu.memory_space<semaphore_mem>>)
        %dma_wait3A_154 = arith.constant 192 : i32
        %dma_wait3A_155 = arith.constant 0 : i32
        %dma_wait3A_156 = tpu.memref_slice %arg11[%dma_wait3A_154, %dma_wait3A_155] : memref<1000x128xf32, #tpu.memory_space<vmem_shared>> -> memref<64x128xf32, #tpu.memory_space<vmem_shared>>
        %dma_wait3A_157 = arith.constant 192 : i32
        %dma_wait3A_158 = arith.constant 0 : i32
        %dma_wait3A_159 = tpu.memref_slice %arg3[%dma_wait3A_157, %dma_wait3A_158] : memref<1000x128xf32, #tpu.memory_space<hbm>> -> memref<64x128xf32, #tpu.memory_space<hbm>>
        tpu.wait_dma2 semaphore(%run_scoped3A : memref<!tpu.dma_semaphore, #tpu.memory_space<semaphore_mem>>) src(%dma_wait3A_159 : memref<64x128xf32, #tpu.memory_space<hbm>>) dst(%dma_wait3A_156 : memref<64x128xf32, #tpu.memory_space<vmem_shared>>)
        tpu.yield
      }) : () -> ()
    } else {
    }
    %eq3A_20 = arith.constant 4 : i32
    %eq3A_21 = arith.cmpi eq, %arg1, %eq3A_20 : i32
    %convert_element_type3A_22 = arith.extui %eq3A_21 : i1 to i32
    %cond3A_23 = arith.constant 0 : i32
    %cond3A_24 = arith.cmpi ne, %convert_element_type3A_22, %cond3A_23 : i32
    scf.if %cond3A_24 {
      "tpu.region"() ({
        %run_scoped3A = tpu.sem_alloc : memref<!tpu.dma_semaphore, #tpu.memory_space<semaphore_mem>>
        %dma_start3A_148 = arith.constant 256 : i32
        %dma_start3A_149 = arith.constant 0 : i32
        %dma_start3A_150 = tpu.memref_slice %arg11[%dma_start3A_148, %dma_start3A_149] : memref<1000x128xf32, #tpu.memory_space<vmem_shared>> -> memref<64x128xf32, #tpu.memory_space<vmem_shared>>
        %dma_start3A_151 = arith.constant 256 : i32
        %dma_start3A_152 = arith.constant 0 : i32
        %dma_start3A_153 = tpu.memref_slice %arg3[%dma_start3A_151, %dma_start3A_152] : memref<1000x128xf32, #tpu.memory_space<hbm>> -> memref<64x128xf32, #tpu.memory_space<hbm>>
        tpu.enqueue_dma source(%dma_start3A_153 : memref<64x128xf32, #tpu.memory_space<hbm>>) target(%dma_start3A_150 : memref<64x128xf32, #tpu.memory_space<vmem_shared>>) target_semaphore(%run_scoped3A : memref<!tpu.dma_semaphore, #tpu.memory_space<semaphore_mem>>)
        %dma_wait3A_154 = arith.constant 256 : i32
        %dma_wait3A_155 = arith.constant 0 : i32
        %dma_wait3A_156 = tpu.memref_slice %arg11[%dma_wait3A_154, %dma_wait3A_155] : memref<1000x128xf32, #tpu.memory_space<vmem_shared>> -> memref<64x128xf32, #tpu.memory_space<vmem_shared>>
        %dma_wait3A_157 = arith.constant 256 : i32
        %dma_wait3A_158 = arith.constant 0 : i32
        %dma_wait3A_159 = tpu.memref_slice %arg3[%dma_wait3A_157, %dma_wait3A_158] : memref<1000x128xf32, #tpu.memory_space<hbm>> -> memref<64x128xf32, #tpu.memory_space<hbm>>
        tpu.wait_dma2 semaphore(%run_scoped3A : memref<!tpu.dma_semaphore, #tpu.memory_space<semaphore_mem>>) src(%dma_wait3A_159 : memref<64x128xf32, #tpu.memory_space<hbm>>) dst(%dma_wait3A_156 : memref<64x128xf32, #tpu.memory_space<vmem_shared>>)
        tpu.yield
      }) : () -> ()
    } else {
    }
    %eq3A_25 = arith.constant 5 : i32
    %eq3A_26 = arith.cmpi eq, %arg1, %eq3A_25 : i32
    %convert_element_type3A_27 = arith.extui %eq3A_26 : i1 to i32
    %cond3A_28 = arith.constant 0 : i32
    %cond3A_29 = arith.cmpi ne, %convert_element_type3A_27, %cond3A_28 : i32
    scf.if %cond3A_29 {
      "tpu.region"() ({
        %run_scoped3A = tpu.sem_alloc : memref<!tpu.dma_semaphore, #tpu.memory_space<semaphore_mem>>
        %dma_start3A_148 = arith.constant 320 : i32
        %dma_start3A_149 = arith.constant 0 : i32
        %dma_start3A_150 = tpu.memref_slice %arg11[%dma_start3A_148, %dma_start3A_149] : memref<1000x128xf32, #tpu.memory_space<vmem_shared>> -> memref<64x128xf32, #tpu.memory_space<vmem_shared>>
        %dma_start3A_151 = arith.constant 320 : i32
        %dma_start3A_152 = arith.constant 0 : i32
        %dma_start3A_153 = tpu.memref_slice %arg3[%dma_start3A_151, %dma_start3A_152] : memref<1000x128xf32, #tpu.memory_space<hbm>> -> memref<64x128xf32, #tpu.memory_space<hbm>>
        tpu.enqueue_dma source(%dma_start3A_153 : memref<64x128xf32, #tpu.memory_space<hbm>>) target(%dma_start3A_150 : memref<64x128xf32, #tpu.memory_space<vmem_shared>>) target_semaphore(%run_scoped3A : memref<!tpu.dma_semaphore, #tpu.memory_space<semaphore_mem>>)
        %dma_wait3A_154 = arith.constant 320 : i32
        %dma_wait3A_155 = arith.constant 0 : i32
        %dma_wait3A_156 = tpu.memref_slice %arg11[%dma_wait3A_154, %dma_wait3A_155] : memref<1000x128xf32, #tpu.memory_space<vmem_shared>> -> memref<64x128xf32, #tpu.memory_space<vmem_shared>>
        %dma_wait3A_157 = arith.constant 320 : i32
        %dma_wait3A_158 = arith.constant 0 : i32
        %dma_wait3A_159 = tpu.memref_slice %arg3[%dma_wait3A_157, %dma_wait3A_158] : memref<1000x128xf32, #tpu.memory_space<hbm>> -> memref<64x128xf32, #tpu.memory_space<hbm>>
        tpu.wait_dma2 semaphore(%run_scoped3A : memref<!tpu.dma_semaphore, #tpu.memory_space<semaphore_mem>>) src(%dma_wait3A_159 : memref<64x128xf32, #tpu.memory_space<hbm>>) dst(%dma_wait3A_156 : memref<64x128xf32, #tpu.memory_space<vmem_shared>>)
        tpu.yield
      }) : () -> ()
    } else {
    }
    %eq3A_30 = arith.constant 6 : i32
    %eq3A_31 = arith.cmpi eq, %arg1, %eq3A_30 : i32
    %convert_element_type3A_32 = arith.extui %eq3A_31 : i1 to i32
    %cond3A_33 = arith.constant 0 : i32
    %cond3A_34 = arith.cmpi ne, %convert_element_type3A_32, %cond3A_33 : i32
    scf.if %cond3A_34 {
      "tpu.region"() ({
        %run_scoped3A = tpu.sem_alloc : memref<!tpu.dma_semaphore, #tpu.memory_space<semaphore_mem>>
        %dma_start3A_148 = arith.constant 384 : i32
        %dma_start3A_149 = arith.constant 0 : i32
        %dma_start3A_150 = tpu.memref_slice %arg11[%dma_start3A_148, %dma_start3A_149] : memref<1000x128xf32, #tpu.memory_space<vmem_shared>> -> memref<64x128xf32, #tpu.memory_space<vmem_shared>>
        %dma_start3A_151 = arith.constant 384 : i32
        %dma_start3A_152 = arith.constant 0 : i32
        %dma_start3A_153 = tpu.memref_slice %arg3[%dma_start3A_151, %dma_start3A_152] : memref<1000x128xf32, #tpu.memory_space<hbm>> -> memref<64x128xf32, #tpu.memory_space<hbm>>
        tpu.enqueue_dma source(%dma_start3A_153 : memref<64x128xf32, #tpu.memory_space<hbm>>) target(%dma_start3A_150 : memref<64x128xf32, #tpu.memory_space<vmem_shared>>) target_semaphore(%run_scoped3A : memref<!tpu.dma_semaphore, #tpu.memory_space<semaphore_mem>>)
        %dma_wait3A_154 = arith.constant 384 : i32
        %dma_wait3A_155 = arith.constant 0 : i32
        %dma_wait3A_156 = tpu.memref_slice %arg11[%dma_wait3A_154, %dma_wait3A_155] : memref<1000x128xf32, #tpu.memory_space<vmem_shared>> -> memref<64x128xf32, #tpu.memory_space<vmem_shared>>
        %dma_wait3A_157 = arith.constant 384 : i32
        %dma_wait3A_158 = arith.constant 0 : i32
        %dma_wait3A_159 = tpu.memref_slice %arg3[%dma_wait3A_157, %dma_wait3A_158] : memref<1000x128xf32, #tpu.memory_space<hbm>> -> memref<64x128xf32, #tpu.memory_space<hbm>>
        tpu.wait_dma2 semaphore(%run_scoped3A : memref<!tpu.dma_semaphore, #tpu.memory_space<semaphore_mem>>) src(%dma_wait3A_159 : memref<64x128xf32, #tpu.memory_space<hbm>>) dst(%dma_wait3A_156 : memref<64x128xf32, #tpu.memory_space<vmem_shared>>)
        tpu.yield
      }) : () -> ()
    } else {
    }
    %eq3A_35 = arith.constant 7 : i32
    %eq3A_36 = arith.cmpi eq, %arg1, %eq3A_35 : i32
    %convert_element_type3A_37 = arith.extui %eq3A_36 : i1 to i32
    %cond3A_38 = arith.constant 0 : i32
    %cond3A_39 = arith.cmpi ne, %convert_element_type3A_37, %cond3A_38 : i32
    scf.if %cond3A_39 {
      "tpu.region"() ({
        %run_scoped3A = tpu.sem_alloc : memref<!tpu.dma_semaphore, #tpu.memory_space<semaphore_mem>>
        %dma_start3A_148 = arith.constant 448 : i32
        %dma_start3A_149 = arith.constant 0 : i32
        %dma_start3A_150 = tpu.memref_slice %arg11[%dma_start3A_148, %dma_start3A_149] : memref<1000x128xf32, #tpu.memory_space<vmem_shared>> -> memref<64x128xf32, #tpu.memory_space<vmem_shared>>
        %dma_start3A_151 = arith.constant 448 : i32
        %dma_start3A_152 = arith.constant 0 : i32
        %dma_start3A_153 = tpu.memref_slice %arg3[%dma_start3A_151, %dma_start3A_152] : memref<1000x128xf32, #tpu.memory_space<hbm>> -> memref<64x128xf32, #tpu.memory_space<hbm>>
        tpu.enqueue_dma source(%dma_start3A_153 : memref<64x128xf32, #tpu.memory_space<hbm>>) target(%dma_start3A_150 : memref<64x128xf32, #tpu.memory_space<vmem_shared>>) target_semaphore(%run_scoped3A : memref<!tpu.dma_semaphore, #tpu.memory_space<semaphore_mem>>)
        %dma_wait3A_154 = arith.constant 448 : i32
        %dma_wait3A_155 = arith.constant 0 : i32
        %dma_wait3A_156 = tpu.memref_slice %arg11[%dma_wait3A_154, %dma_wait3A_155] : memref<1000x128xf32, #tpu.memory_space<vmem_shared>> -> memref<64x128xf32, #tpu.memory_space<vmem_shared>>
        %dma_wait3A_157 = arith.constant 448 : i32
        %dma_wait3A_158 = arith.constant 0 : i32
        %dma_wait3A_159 = tpu.memref_slice %arg3[%dma_wait3A_157, %dma_wait3A_158] : memref<1000x128xf32, #tpu.memory_space<hbm>> -> memref<64x128xf32, #tpu.memory_space<hbm>>
        tpu.wait_dma2 semaphore(%run_scoped3A : memref<!tpu.dma_semaphore, #tpu.memory_space<semaphore_mem>>) src(%dma_wait3A_159 : memref<64x128xf32, #tpu.memory_space<hbm>>) dst(%dma_wait3A_156 : memref<64x128xf32, #tpu.memory_space<vmem_shared>>)
        tpu.yield
      }) : () -> ()
    } else {
    }
    %eq3A_40 = arith.constant 8 : i32
    %eq3A_41 = arith.cmpi eq, %arg1, %eq3A_40 : i32
    %convert_element_type3A_42 = arith.extui %eq3A_41 : i1 to i32
    %cond3A_43 = arith.constant 0 : i32
    %cond3A_44 = arith.cmpi ne, %convert_element_type3A_42, %cond3A_43 : i32
    scf.if %cond3A_44 {
      "tpu.region"() ({
        %run_scoped3A = tpu.sem_alloc : memref<!tpu.dma_semaphore, #tpu.memory_space<semaphore_mem>>
        %dma_start3A_148 = arith.constant 512 : i32
        %dma_start3A_149 = arith.constant 0 : i32
        %dma_start3A_150 = tpu.memref_slice %arg11[%dma_start3A_148, %dma_start3A_149] : memref<1000x128xf32, #tpu.memory_space<vmem_shared>> -> memref<64x128xf32, #tpu.memory_space<vmem_shared>>
        %dma_start3A_151 = arith.constant 512 : i32
        %dma_start3A_152 = arith.constant 0 : i32
        %dma_start3A_153 = tpu.memref_slice %arg3[%dma_start3A_151, %dma_start3A_152] : memref<1000x128xf32, #tpu.memory_space<hbm>> -> memref<64x128xf32, #tpu.memory_space<hbm>>
        tpu.enqueue_dma source(%dma_start3A_153 : memref<64x128xf32, #tpu.memory_space<hbm>>) target(%dma_start3A_150 : memref<64x128xf32, #tpu.memory_space<vmem_shared>>) target_semaphore(%run_scoped3A : memref<!tpu.dma_semaphore, #tpu.memory_space<semaphore_mem>>)
        %dma_wait3A_154 = arith.constant 512 : i32
        %dma_wait3A_155 = arith.constant 0 : i32
        %dma_wait3A_156 = tpu.memref_slice %arg11[%dma_wait3A_154, %dma_wait3A_155] : memref<1000x128xf32, #tpu.memory_space<vmem_shared>> -> memref<64x128xf32, #tpu.memory_space<vmem_shared>>
        %dma_wait3A_157 = arith.constant 512 : i32
        %dma_wait3A_158 = arith.constant 0 : i32
        %dma_wait3A_159 = tpu.memref_slice %arg3[%dma_wait3A_157, %dma_wait3A_158] : memref<1000x128xf32, #tpu.memory_space<hbm>> -> memref<64x128xf32, #tpu.memory_space<hbm>>
        tpu.wait_dma2 semaphore(%run_scoped3A : memref<!tpu.dma_semaphore, #tpu.memory_space<semaphore_mem>>) src(%dma_wait3A_159 : memref<64x128xf32, #tpu.memory_space<hbm>>) dst(%dma_wait3A_156 : memref<64x128xf32, #tpu.memory_space<vmem_shared>>)
        tpu.yield
      }) : () -> ()
    } else {
    }
    %eq3A_45 = arith.constant 9 : i32
    %eq3A_46 = arith.cmpi eq, %arg1, %eq3A_45 : i32
    %convert_element_type3A_47 = arith.extui %eq3A_46 : i1 to i32
    %cond3A_48 = arith.constant 0 : i32
    %cond3A_49 = arith.cmpi ne, %convert_element_type3A_47, %cond3A_48 : i32
    scf.if %cond3A_49 {
      "tpu.region"() ({
        %run_scoped3A = tpu.sem_alloc : memref<!tpu.dma_semaphore, #tpu.memory_space<semaphore_mem>>
        %dma_start3A_148 = arith.constant 576 : i32
        %dma_start3A_149 = arith.constant 0 : i32
        %dma_start3A_150 = tpu.memref_slice %arg11[%dma_start3A_148, %dma_start3A_149] : memref<1000x128xf32, #tpu.memory_space<vmem_shared>> -> memref<64x128xf32, #tpu.memory_space<vmem_shared>>
        %dma_start3A_151 = arith.constant 576 : i32
        %dma_start3A_152 = arith.constant 0 : i32
        %dma_start3A_153 = tpu.memref_slice %arg3[%dma_start3A_151, %dma_start3A_152] : memref<1000x128xf32, #tpu.memory_space<hbm>> -> memref<64x128xf32, #tpu.memory_space<hbm>>
        tpu.enqueue_dma source(%dma_start3A_153 : memref<64x128xf32, #tpu.memory_space<hbm>>) target(%dma_start3A_150 : memref<64x128xf32, #tpu.memory_space<vmem_shared>>) target_semaphore(%run_scoped3A : memref<!tpu.dma_semaphore, #tpu.memory_space<semaphore_mem>>)
        %dma_wait3A_154 = arith.constant 576 : i32
        %dma_wait3A_155 = arith.constant 0 : i32
        %dma_wait3A_156 = tpu.memref_slice %arg11[%dma_wait3A_154, %dma_wait3A_155] : memref<1000x128xf32, #tpu.memory_space<vmem_shared>> -> memref<64x128xf32, #tpu.memory_space<vmem_shared>>
        %dma_wait3A_157 = arith.constant 576 : i32
        %dma_wait3A_158 = arith.constant 0 : i32
        %dma_wait3A_159 = tpu.memref_slice %arg3[%dma_wait3A_157, %dma_wait3A_158] : memref<1000x128xf32, #tpu.memory_space<hbm>> -> memref<64x128xf32, #tpu.memory_space<hbm>>
        tpu.wait_dma2 semaphore(%run_scoped3A : memref<!tpu.dma_semaphore, #tpu.memory_space<semaphore_mem>>) src(%dma_wait3A_159 : memref<64x128xf32, #tpu.memory_space<hbm>>) dst(%dma_wait3A_156 : memref<64x128xf32, #tpu.memory_space<vmem_shared>>)
        tpu.yield
      }) : () -> ()
    } else {
    }
    %eq3A_50 = arith.constant 10 : i32
    %eq3A_51 = arith.cmpi eq, %arg1, %eq3A_50 : i32
    %convert_element_type3A_52 = arith.extui %eq3A_51 : i1 to i32
    %cond3A_53 = arith.constant 0 : i32
    %cond3A_54 = arith.cmpi ne, %convert_element_type3A_52, %cond3A_53 : i32
    scf.if %cond3A_54 {
      "tpu.region"() ({
        %run_scoped3A = tpu.sem_alloc : memref<!tpu.dma_semaphore, #tpu.memory_space<semaphore_mem>>
        %dma_start3A_148 = arith.constant 640 : i32
        %dma_start3A_149 = arith.constant 0 : i32
        %dma_start3A_150 = tpu.memref_slice %arg11[%dma_start3A_148, %dma_start3A_149] : memref<1000x128xf32, #tpu.memory_space<vmem_shared>> -> memref<64x128xf32, #tpu.memory_space<vmem_shared>>
        %dma_start3A_151 = arith.constant 640 : i32
        %dma_start3A_152 = arith.constant 0 : i32
        %dma_start3A_153 = tpu.memref_slice %arg3[%dma_start3A_151, %dma_start3A_152] : memref<1000x128xf32, #tpu.memory_space<hbm>> -> memref<64x128xf32, #tpu.memory_space<hbm>>
        tpu.enqueue_dma source(%dma_start3A_153 : memref<64x128xf32, #tpu.memory_space<hbm>>) target(%dma_start3A_150 : memref<64x128xf32, #tpu.memory_space<vmem_shared>>) target_semaphore(%run_scoped3A : memref<!tpu.dma_semaphore, #tpu.memory_space<semaphore_mem>>)
        %dma_wait3A_154 = arith.constant 640 : i32
        %dma_wait3A_155 = arith.constant 0 : i32
        %dma_wait3A_156 = tpu.memref_slice %arg11[%dma_wait3A_154, %dma_wait3A_155] : memref<1000x128xf32, #tpu.memory_space<vmem_shared>> -> memref<64x128xf32, #tpu.memory_space<vmem_shared>>
        %dma_wait3A_157 = arith.constant 640 : i32
        %dma_wait3A_158 = arith.constant 0 : i32
        %dma_wait3A_159 = tpu.memref_slice %arg3[%dma_wait3A_157, %dma_wait3A_158] : memref<1000x128xf32, #tpu.memory_space<hbm>> -> memref<64x128xf32, #tpu.memory_space<hbm>>
        tpu.wait_dma2 semaphore(%run_scoped3A : memref<!tpu.dma_semaphore, #tpu.memory_space<semaphore_mem>>) src(%dma_wait3A_159 : memref<64x128xf32, #tpu.memory_space<hbm>>) dst(%dma_wait3A_156 : memref<64x128xf32, #tpu.memory_space<vmem_shared>>)
        tpu.yield
      }) : () -> ()
    } else {
    }
    %eq3A_55 = arith.constant 11 : i32
    %eq3A_56 = arith.cmpi eq, %arg1, %eq3A_55 : i32
    %convert_element_type3A_57 = arith.extui %eq3A_56 : i1 to i32
    %cond3A_58 = arith.constant 0 : i32
    %cond3A_59 = arith.cmpi ne, %convert_element_type3A_57, %cond3A_58 : i32
    scf.if %cond3A_59 {
      "tpu.region"() ({
        %run_scoped3A = tpu.sem_alloc : memref<!tpu.dma_semaphore, #tpu.memory_space<semaphore_mem>>
        %dma_start3A_148 = arith.constant 704 : i32
        %dma_start3A_149 = arith.constant 0 : i32
        %dma_start3A_150 = tpu.memref_slice %arg11[%dma_start3A_148, %dma_start3A_149] : memref<1000x128xf32, #tpu.memory_space<vmem_shared>> -> memref<64x128xf32, #tpu.memory_space<vmem_shared>>
        %dma_start3A_151 = arith.constant 704 : i32
        %dma_start3A_152 = arith.constant 0 : i32
        %dma_start3A_153 = tpu.memref_slice %arg3[%dma_start3A_151, %dma_start3A_152] : memref<1000x128xf32, #tpu.memory_space<hbm>> -> memref<64x128xf32, #tpu.memory_space<hbm>>
        tpu.enqueue_dma source(%dma_start3A_153 : memref<64x128xf32, #tpu.memory_space<hbm>>) target(%dma_start3A_150 : memref<64x128xf32, #tpu.memory_space<vmem_shared>>) target_semaphore(%run_scoped3A : memref<!tpu.dma_semaphore, #tpu.memory_space<semaphore_mem>>)
        %dma_wait3A_154 = arith.constant 704 : i32
        %dma_wait3A_155 = arith.constant 0 : i32
        %dma_wait3A_156 = tpu.memref_slice %arg11[%dma_wait3A_154, %dma_wait3A_155] : memref<1000x128xf32, #tpu.memory_space<vmem_shared>> -> memref<64x128xf32, #tpu.memory_space<vmem_shared>>
        %dma_wait3A_157 = arith.constant 704 : i32
        %dma_wait3A_158 = arith.constant 0 : i32
        %dma_wait3A_159 = tpu.memref_slice %arg3[%dma_wait3A_157, %dma_wait3A_158] : memref<1000x128xf32, #tpu.memory_space<hbm>> -> memref<64x128xf32, #tpu.memory_space<hbm>>
        tpu.wait_dma2 semaphore(%run_scoped3A : memref<!tpu.dma_semaphore, #tpu.memory_space<semaphore_mem>>) src(%dma_wait3A_159 : memref<64x128xf32, #tpu.memory_space<hbm>>) dst(%dma_wait3A_156 : memref<64x128xf32, #tpu.memory_space<vmem_shared>>)
        tpu.yield
      }) : () -> ()
    } else {
    }
    %eq3A_60 = arith.constant 12 : i32
    %eq3A_61 = arith.cmpi eq, %arg1, %eq3A_60 : i32
    %convert_element_type3A_62 = arith.extui %eq3A_61 : i1 to i32
    %cond3A_63 = arith.constant 0 : i32
    %cond3A_64 = arith.cmpi ne, %convert_element_type3A_62, %cond3A_63 : i32
    scf.if %cond3A_64 {
      "tpu.region"() ({
        %run_scoped3A = tpu.sem_alloc : memref<!tpu.dma_semaphore, #tpu.memory_space<semaphore_mem>>
        %dma_start3A_148 = arith.constant 768 : i32
        %dma_start3A_149 = arith.constant 0 : i32
        %dma_start3A_150 = tpu.memref_slice %arg11[%dma_start3A_148, %dma_start3A_149] : memref<1000x128xf32, #tpu.memory_space<vmem_shared>> -> memref<64x128xf32, #tpu.memory_space<vmem_shared>>
        %dma_start3A_151 = arith.constant 768 : i32
        %dma_start3A_152 = arith.constant 0 : i32
        %dma_start3A_153 = tpu.memref_slice %arg3[%dma_start3A_151, %dma_start3A_152] : memref<1000x128xf32, #tpu.memory_space<hbm>> -> memref<64x128xf32, #tpu.memory_space<hbm>>
        tpu.enqueue_dma source(%dma_start3A_153 : memref<64x128xf32, #tpu.memory_space<hbm>>) target(%dma_start3A_150 : memref<64x128xf32, #tpu.memory_space<vmem_shared>>) target_semaphore(%run_scoped3A : memref<!tpu.dma_semaphore, #tpu.memory_space<semaphore_mem>>)
        %dma_wait3A_154 = arith.constant 768 : i32
        %dma_wait3A_155 = arith.constant 0 : i32
        %dma_wait3A_156 = tpu.memref_slice %arg11[%dma_wait3A_154, %dma_wait3A_155] : memref<1000x128xf32, #tpu.memory_space<vmem_shared>> -> memref<64x128xf32, #tpu.memory_space<vmem_shared>>
        %dma_wait3A_157 = arith.constant 768 : i32
        %dma_wait3A_158 = arith.constant 0 : i32
        %dma_wait3A_159 = tpu.memref_slice %arg3[%dma_wait3A_157, %dma_wait3A_158] : memref<1000x128xf32, #tpu.memory_space<hbm>> -> memref<64x128xf32, #tpu.memory_space<hbm>>
        tpu.wait_dma2 semaphore(%run_scoped3A : memref<!tpu.dma_semaphore, #tpu.memory_space<semaphore_mem>>) src(%dma_wait3A_159 : memref<64x128xf32, #tpu.memory_space<hbm>>) dst(%dma_wait3A_156 : memref<64x128xf32, #tpu.memory_space<vmem_shared>>)
        tpu.yield
      }) : () -> ()
    } else {
    }
    %eq3A_65 = arith.constant 13 : i32
    %eq3A_66 = arith.cmpi eq, %arg1, %eq3A_65 : i32
    %convert_element_type3A_67 = arith.extui %eq3A_66 : i1 to i32
    %cond3A_68 = arith.constant 0 : i32
    %cond3A_69 = arith.cmpi ne, %convert_element_type3A_67, %cond3A_68 : i32
    scf.if %cond3A_69 {
      "tpu.region"() ({
        %run_scoped3A = tpu.sem_alloc : memref<!tpu.dma_semaphore, #tpu.memory_space<semaphore_mem>>
        %dma_start3A_148 = arith.constant 832 : i32
        %dma_start3A_149 = arith.constant 0 : i32
        %dma_start3A_150 = tpu.memref_slice %arg11[%dma_start3A_148, %dma_start3A_149] : memref<1000x128xf32, #tpu.memory_space<vmem_shared>> -> memref<64x128xf32, #tpu.memory_space<vmem_shared>>
        %dma_start3A_151 = arith.constant 832 : i32
        %dma_start3A_152 = arith.constant 0 : i32
        %dma_start3A_153 = tpu.memref_slice %arg3[%dma_start3A_151, %dma_start3A_152] : memref<1000x128xf32, #tpu.memory_space<hbm>> -> memref<64x128xf32, #tpu.memory_space<hbm>>
        tpu.enqueue_dma source(%dma_start3A_153 : memref<64x128xf32, #tpu.memory_space<hbm>>) target(%dma_start3A_150 : memref<64x128xf32, #tpu.memory_space<vmem_shared>>) target_semaphore(%run_scoped3A : memref<!tpu.dma_semaphore, #tpu.memory_space<semaphore_mem>>)
        %dma_wait3A_154 = arith.constant 832 : i32
        %dma_wait3A_155 = arith.constant 0 : i32
        %dma_wait3A_156 = tpu.memref_slice %arg11[%dma_wait3A_154, %dma_wait3A_155] : memref<1000x128xf32, #tpu.memory_space<vmem_shared>> -> memref<64x128xf32, #tpu.memory_space<vmem_shared>>
        %dma_wait3A_157 = arith.constant 832 : i32
        %dma_wait3A_158 = arith.constant 0 : i32
        %dma_wait3A_159 = tpu.memref_slice %arg3[%dma_wait3A_157, %dma_wait3A_158] : memref<1000x128xf32, #tpu.memory_space<hbm>> -> memref<64x128xf32, #tpu.memory_space<hbm>>
        tpu.wait_dma2 semaphore(%run_scoped3A : memref<!tpu.dma_semaphore, #tpu.memory_space<semaphore_mem>>) src(%dma_wait3A_159 : memref<64x128xf32, #tpu.memory_space<hbm>>) dst(%dma_wait3A_156 : memref<64x128xf32, #tpu.memory_space<vmem_shared>>)
        tpu.yield
      }) : () -> ()
    } else {
    }
    %eq3A_70 = arith.constant 14 : i32
    %eq3A_71 = arith.cmpi eq, %arg1, %eq3A_70 : i32
    %convert_element_type3A_72 = arith.extui %eq3A_71 : i1 to i32
    %cond3A_73 = arith.constant 0 : i32
    %cond3A_74 = arith.cmpi ne, %convert_element_type3A_72, %cond3A_73 : i32
    scf.if %cond3A_74 {
      "tpu.region"() ({
        %run_scoped3A = tpu.sem_alloc : memref<!tpu.dma_semaphore, #tpu.memory_space<semaphore_mem>>
        %dma_start3A_148 = arith.constant 896 : i32
        %dma_start3A_149 = arith.constant 0 : i32
        %dma_start3A_150 = tpu.memref_slice %arg11[%dma_start3A_148, %dma_start3A_149] : memref<1000x128xf32, #tpu.memory_space<vmem_shared>> -> memref<64x128xf32, #tpu.memory_space<vmem_shared>>
        %dma_start3A_151 = arith.constant 896 : i32
        %dma_start3A_152 = arith.constant 0 : i32
        %dma_start3A_153 = tpu.memref_slice %arg3[%dma_start3A_151, %dma_start3A_152] : memref<1000x128xf32, #tpu.memory_space<hbm>> -> memref<64x128xf32, #tpu.memory_space<hbm>>
        tpu.enqueue_dma source(%dma_start3A_153 : memref<64x128xf32, #tpu.memory_space<hbm>>) target(%dma_start3A_150 : memref<64x128xf32, #tpu.memory_space<vmem_shared>>) target_semaphore(%run_scoped3A : memref<!tpu.dma_semaphore, #tpu.memory_space<semaphore_mem>>)
        %dma_wait3A_154 = arith.constant 896 : i32
        %dma_wait3A_155 = arith.constant 0 : i32
        %dma_wait3A_156 = tpu.memref_slice %arg11[%dma_wait3A_154, %dma_wait3A_155] : memref<1000x128xf32, #tpu.memory_space<vmem_shared>> -> memref<64x128xf32, #tpu.memory_space<vmem_shared>>
        %dma_wait3A_157 = arith.constant 896 : i32
        %dma_wait3A_158 = arith.constant 0 : i32
        %dma_wait3A_159 = tpu.memref_slice %arg3[%dma_wait3A_157, %dma_wait3A_158] : memref<1000x128xf32, #tpu.memory_space<hbm>> -> memref<64x128xf32, #tpu.memory_space<hbm>>
        tpu.wait_dma2 semaphore(%run_scoped3A : memref<!tpu.dma_semaphore, #tpu.memory_space<semaphore_mem>>) src(%dma_wait3A_159 : memref<64x128xf32, #tpu.memory_space<hbm>>) dst(%dma_wait3A_156 : memref<64x128xf32, #tpu.memory_space<vmem_shared>>)
        tpu.yield
      }) : () -> ()
    } else {
    }
    %eq3A_75 = arith.constant 15 : i32
    %eq3A_76 = arith.cmpi eq, %arg1, %eq3A_75 : i32
    %convert_element_type3A_77 = arith.extui %eq3A_76 : i1 to i32
    %cond3A_78 = arith.constant 0 : i32
    %cond3A_79 = arith.cmpi ne, %convert_element_type3A_77, %cond3A_78 : i32
    scf.if %cond3A_79 {
      "tpu.region"() ({
        %run_scoped3A = tpu.sem_alloc : memref<!tpu.dma_semaphore, #tpu.memory_space<semaphore_mem>>
        %dma_start3A_148 = arith.constant 960 : i32
        %dma_start3A_149 = arith.constant 0 : i32
        %dma_start3A_150 = tpu.memref_slice %arg11[%dma_start3A_148, %dma_start3A_149] : memref<1000x128xf32, #tpu.memory_space<vmem_shared>> -> memref<40x128xf32, #tpu.memory_space<vmem_shared>>
        %dma_start3A_151 = arith.constant 960 : i32
        %dma_start3A_152 = arith.constant 0 : i32
        %dma_start3A_153 = tpu.memref_slice %arg3[%dma_start3A_151, %dma_start3A_152] : memref<1000x128xf32, #tpu.memory_space<hbm>> -> memref<40x128xf32, #tpu.memory_space<hbm>>
        tpu.enqueue_dma source(%dma_start3A_153 : memref<40x128xf32, #tpu.memory_space<hbm>>) target(%dma_start3A_150 : memref<40x128xf32, #tpu.memory_space<vmem_shared>>) target_semaphore(%run_scoped3A : memref<!tpu.dma_semaphore, #tpu.memory_space<semaphore_mem>>)
        %dma_wait3A_154 = arith.constant 960 : i32
        %dma_wait3A_155 = arith.constant 0 : i32
        %dma_wait3A_156 = tpu.memref_slice %arg11[%dma_wait3A_154, %dma_wait3A_155] : memref<1000x128xf32, #tpu.memory_space<vmem_shared>> -> memref<40x128xf32, #tpu.memory_space<vmem_shared>>
        %dma_wait3A_157 = arith.constant 960 : i32
        %dma_wait3A_158 = arith.constant 0 : i32
        %dma_wait3A_159 = tpu.memref_slice %arg3[%dma_wait3A_157, %dma_wait3A_158] : memref<1000x128xf32, #tpu.memory_space<hbm>> -> memref<40x128xf32, #tpu.memory_space<hbm>>
        tpu.wait_dma2 semaphore(%run_scoped3A : memref<!tpu.dma_semaphore, #tpu.memory_space<semaphore_mem>>) src(%dma_wait3A_159 : memref<40x128xf32, #tpu.memory_space<hbm>>) dst(%dma_wait3A_156 : memref<40x128xf32, #tpu.memory_space<vmem_shared>>)
        tpu.yield
      }) : () -> ()
    } else {
    }
    "tpu.region"() ({
      %run_scoped3A = tpu.sem_alloc : memref<!tpu.dma_semaphore, #tpu.memory_space<semaphore_mem>>
      %dma_start3A_148 = arith.constant 0 : i32
      %dma_start3A_149 = tpu.memref_slice %arg2[%dma_start3A_148, %multiple_of3A] : memref<50x4096xi32, #tpu.memory_space<hbm>> -> memref<50x128xi32, #tpu.memory_space<hbm>>
      %dma_start3A_150 = arith.constant 0 : i32
      %dma_start3A_151 = tpu.memref_slice %arg2[%dma_start3A_150, %multiple_of3A] : memref<50x4096xi32, #tpu.memory_space<hbm>> -> memref<50x128xi32, #tpu.memory_space<hbm>>
      tpu.enqueue_dma source(%dma_start3A_151 : memref<50x128xi32, #tpu.memory_space<hbm>>) target(%arg5 : memref<50x128xi32, #tpu.memory_space<vmem>>) target_semaphore(%run_scoped3A : memref<!tpu.dma_semaphore, #tpu.memory_space<semaphore_mem>>)
      %dma_wait3A_152 = arith.constant 0 : i32
      %dma_wait3A_153 = tpu.memref_slice %arg2[%dma_wait3A_152, %multiple_of3A] : memref<50x4096xi32, #tpu.memory_space<hbm>> -> memref<50x128xi32, #tpu.memory_space<hbm>>
      %dma_wait3A_154 = arith.constant 0 : i32
      %dma_wait3A_155 = tpu.memref_slice %arg2[%dma_wait3A_154, %multiple_of3A] : memref<50x4096xi32, #tpu.memory_space<hbm>> -> memref<50x128xi32, #tpu.memory_space<hbm>>
      tpu.wait_dma2 semaphore(%run_scoped3A : memref<!tpu.dma_semaphore, #tpu.memory_space<semaphore_mem>>) src(%dma_wait3A_155 : memref<50x128xi32, #tpu.memory_space<hbm>>) dst(%arg5 : memref<50x128xi32, #tpu.memory_space<vmem>>)
      tpu.yield
    }) : () -> ()
    %barrier3A = arith.constant 0 : index
    tpu.barrier barrier_id(%barrier3A)
    %dma_start3A = arith.constant 0 : i32
    %dma_start3A_80 = arith.constant 0 : i32
    %dma_start3A_81 = tpu.memref_slice %arg5[%dma_start3A, %dma_start3A_80] : memref<50x128xi32, #tpu.memory_space<vmem>> -> memref<1x128xi32, #tpu.memory_space<vmem>>
    %dma_start3A_82 = tpu.memref_squeeze %dma_start3A_81 : memref<1x128xi32, #tpu.memory_space<vmem>> -> memref<128xi32, #tpu.memory_space<vmem>>
    %dma_start3A_83 = arith.constant 0 : i32
    %dma_start3A_84 = arith.constant 0 : i32
    %dma_start3A_85 = tpu.memref_slice %arg11[%dma_start3A_83, %dma_start3A_84] : memref<1000x128xf32, #tpu.memory_space<vmem_shared>> -> memref<1000x128xf32, #tpu.memory_space<vmem_shared>>
    tpu.enqueue_indirect_dma source(%dma_start3A_85 : memref<1000x128xf32, #tpu.memory_space<vmem_shared>>) target(%arg6 : memref<128x128xf32, #tpu.memory_space<vmem>>) offsets(%dma_start3A_82 : memref<128xi32, #tpu.memory_space<vmem>>) semaphore(%arg12 : memref<!tpu.dma_semaphore, #tpu.memory_space<semaphore_mem>>)
    %dma_start3A_86 = arith.constant 1 : i32
    %dma_start3A_87 = arith.constant 0 : i32
    %dma_start3A_88 = tpu.memref_slice %arg5[%dma_start3A_86, %dma_start3A_87] : memref<50x128xi32, #tpu.memory_space<vmem>> -> memref<1x128xi32, #tpu.memory_space<vmem>>
    %dma_start3A_89 = tpu.memref_squeeze %dma_start3A_88 : memref<1x128xi32, #tpu.memory_space<vmem>> -> memref<128xi32, #tpu.memory_space<vmem>>
    %dma_start3A_90 = arith.constant 0 : i32
    %dma_start3A_91 = arith.constant 0 : i32
    %dma_start3A_92 = tpu.memref_slice %arg11[%dma_start3A_90, %dma_start3A_91] : memref<1000x128xf32, #tpu.memory_space<vmem_shared>> -> memref<1000x128xf32, #tpu.memory_space<vmem_shared>>
    tpu.enqueue_indirect_dma source(%dma_start3A_92 : memref<1000x128xf32, #tpu.memory_space<vmem_shared>>) target(%arg7 : memref<128x128xf32, #tpu.memory_space<vmem>>) offsets(%dma_start3A_89 : memref<128xi32, #tpu.memory_space<vmem>>) semaphore(%arg13 : memref<!tpu.dma_semaphore, #tpu.memory_space<semaphore_mem>>)
    %dma_start3A_93 = arith.constant 2 : i32
    %dma_start3A_94 = arith.constant 0 : i32
    %dma_start3A_95 = tpu.memref_slice %arg5[%dma_start3A_93, %dma_start3A_94] : memref<50x128xi32, #tpu.memory_space<vmem>> -> memref<1x128xi32, #tpu.memory_space<vmem>>
    %dma_start3A_96 = tpu.memref_squeeze %dma_start3A_95 : memref<1x128xi32, #tpu.memory_space<vmem>> -> memref<128xi32, #tpu.memory_space<vmem>>
    %dma_start3A_97 = arith.constant 0 : i32
    %dma_start3A_98 = arith.constant 0 : i32
    %dma_start3A_99 = tpu.memref_slice %arg11[%dma_start3A_97, %dma_start3A_98] : memref<1000x128xf32, #tpu.memory_space<vmem_shared>> -> memref<1000x128xf32, #tpu.memory_space<vmem_shared>>
    tpu.enqueue_indirect_dma source(%dma_start3A_99 : memref<1000x128xf32, #tpu.memory_space<vmem_shared>>) target(%arg8 : memref<128x128xf32, #tpu.memory_space<vmem>>) offsets(%dma_start3A_96 : memref<128xi32, #tpu.memory_space<vmem>>) semaphore(%arg14 : memref<!tpu.dma_semaphore, #tpu.memory_space<semaphore_mem>>)
    %dma_start3A_100 = arith.constant 3 : i32
    %dma_start3A_101 = arith.constant 0 : i32
    %dma_start3A_102 = tpu.memref_slice %arg5[%dma_start3A_100, %dma_start3A_101] : memref<50x128xi32, #tpu.memory_space<vmem>> -> memref<1x128xi32, #tpu.memory_space<vmem>>
    %dma_start3A_103 = tpu.memref_squeeze %dma_start3A_102 : memref<1x128xi32, #tpu.memory_space<vmem>> -> memref<128xi32, #tpu.memory_space<vmem>>
    %dma_start3A_104 = arith.constant 0 : i32
    %dma_start3A_105 = arith.constant 0 : i32
    %dma_start3A_106 = tpu.memref_slice %arg11[%dma_start3A_104, %dma_start3A_105] : memref<1000x128xf32, #tpu.memory_space<vmem_shared>> -> memref<1000x128xf32, #tpu.memory_space<vmem_shared>>
    tpu.enqueue_indirect_dma source(%dma_start3A_106 : memref<1000x128xf32, #tpu.memory_space<vmem_shared>>) target(%arg9 : memref<128x128xf32, #tpu.memory_space<vmem>>) offsets(%dma_start3A_103 : memref<128xi32, #tpu.memory_space<vmem>>) semaphore(%arg15 : memref<!tpu.dma_semaphore, #tpu.memory_space<semaphore_mem>>)
    %dma_start3A_107 = arith.constant 4 : i32
    %dma_start3A_108 = arith.constant 0 : i32
    %dma_start3A_109 = tpu.memref_slice %arg5[%dma_start3A_107, %dma_start3A_108] : memref<50x128xi32, #tpu.memory_space<vmem>> -> memref<1x128xi32, #tpu.memory_space<vmem>>
    %dma_start3A_110 = tpu.memref_squeeze %dma_start3A_109 : memref<1x128xi32, #tpu.memory_space<vmem>> -> memref<128xi32, #tpu.memory_space<vmem>>
    %dma_start3A_111 = arith.constant 0 : i32
    %dma_start3A_112 = arith.constant 0 : i32
    %dma_start3A_113 = tpu.memref_slice %arg11[%dma_start3A_111, %dma_start3A_112] : memref<1000x128xf32, #tpu.memory_space<vmem_shared>> -> memref<1000x128xf32, #tpu.memory_space<vmem_shared>>
    tpu.enqueue_indirect_dma source(%dma_start3A_113 : memref<1000x128xf32, #tpu.memory_space<vmem_shared>>) target(%arg10 : memref<128x128xf32, #tpu.memory_space<vmem>>) offsets(%dma_start3A_110 : memref<128xi32, #tpu.memory_space<vmem>>) semaphore(%arg16 : memref<!tpu.dma_semaphore, #tpu.memory_space<semaphore_mem>>)
    %scan3A = arith.constant 0 : i32
    %scan3A_114 = arith.constant 0 : i32
    %scan3A_115 = arith.constant 10 : i32
    %scan3A_116 = arith.addi %scan3A_114, %scan3A_115 : i32
    %scan3A_117 = arith.constant 1 : i32
    scf.for %scan3A_148 = %scan3A_114 to %scan3A_116 step %scan3A_117  : i32 {
      %mul3A_149 = arith.constant 5 : i32
      %mul3A_150 = arith.muli %mul3A_149, %scan3A_148 : i32
      %dma_wait3A_151 = arith.constant 0 : i32
      %dma_wait3A_152 = tpu.memref_slice %arg5[%mul3A_150, %dma_wait3A_151] : memref<50x128xi32, #tpu.memory_space<vmem>> -> memref<1x128xi32, #tpu.memory_space<vmem>>
      %dma_wait3A_153 = tpu.memref_squeeze %dma_wait3A_152 : memref<1x128xi32, #tpu.memory_space<vmem>> -> memref<128xi32, #tpu.memory_space<vmem>>
      %dma_wait3A_154 = arith.constant 0 : i32
      %dma_wait3A_155 = arith.constant 0 : i32
      %dma_wait3A_156 = tpu.memref_slice %arg11[%dma_wait3A_154, %dma_wait3A_155] : memref<1000x128xf32, #tpu.memory_space<vmem_shared>> -> memref<1000x128xf32, #tpu.memory_space<vmem_shared>>
      tpu.wait_indirect_dma semaphore(%arg12 : memref<!tpu.dma_semaphore, #tpu.memory_space<semaphore_mem>>) src(%dma_wait3A_156 : memref<1000x128xf32, #tpu.memory_space<vmem_shared>>) dst(%arg6 : memref<128x128xf32, #tpu.memory_space<vmem>>)
      %add3A_157 = arith.constant 0 : i32
      %add3A_158 = arith.addi %mul3A_150, %add3A_157 : i32
      %mul3A_159 = arith.constant 4096 : i32
      %mul3A_160 = arith.muli %add3A_158, %mul3A_159 : i32
      %add3A_161 = arith.addi %mul3A_160, %multiple_of3A : i32
      %dma_start3A_162 = arith.constant 0 : i32
      %dma_start3A_163 = tpu.memref_slice %arg4[%add3A_161, %dma_start3A_162] : memref<204800x128xf32, #tpu.memory_space<hbm>> -> memref<128x128xf32, #tpu.memory_space<hbm>>
      %dma_start3A_164 = arith.constant 0 : i32
      %dma_start3A_165 = tpu.memref_slice %arg4[%add3A_161, %dma_start3A_164] : memref<204800x128xf32, #tpu.memory_space<hbm>> -> memref<128x128xf32, #tpu.memory_space<hbm>>
      tpu.enqueue_dma source(%arg6 : memref<128x128xf32, #tpu.memory_space<vmem>>) target(%dma_start3A_165 : memref<128x128xf32, #tpu.memory_space<hbm>>) target_semaphore(%arg17 : memref<!tpu.dma_semaphore, #tpu.memory_space<semaphore_mem>>)
      %dma_wait3A_166 = arith.constant 0 : i32
      %dma_wait3A_167 = tpu.memref_slice %arg5[%mul3A_150, %dma_wait3A_166] : memref<50x128xi32, #tpu.memory_space<vmem>> -> memref<1x128xi32, #tpu.memory_space<vmem>>
      %dma_wait3A_168 = tpu.memref_squeeze %dma_wait3A_167 : memref<1x128xi32, #tpu.memory_space<vmem>> -> memref<128xi32, #tpu.memory_space<vmem>>
      %dma_wait3A_169 = arith.constant 0 : i32
      %dma_wait3A_170 = arith.constant 0 : i32
      %dma_wait3A_171 = tpu.memref_slice %arg11[%dma_wait3A_169, %dma_wait3A_170] : memref<1000x128xf32, #tpu.memory_space<vmem_shared>> -> memref<1000x128xf32, #tpu.memory_space<vmem_shared>>
      tpu.wait_indirect_dma semaphore(%arg13 : memref<!tpu.dma_semaphore, #tpu.memory_space<semaphore_mem>>) src(%dma_wait3A_171 : memref<1000x128xf32, #tpu.memory_space<vmem_shared>>) dst(%arg7 : memref<128x128xf32, #tpu.memory_space<vmem>>)
      %add3A_172 = arith.constant 1 : i32
      %add3A_173 = arith.addi %mul3A_150, %add3A_172 : i32
      %mul3A_174 = arith.constant 4096 : i32
      %mul3A_175 = arith.muli %add3A_173, %mul3A_174 : i32
      %add3A_176 = arith.addi %mul3A_175, %multiple_of3A : i32
      %dma_start3A_177 = arith.constant 0 : i32
      %dma_start3A_178 = tpu.memref_slice %arg4[%add3A_176, %dma_start3A_177] : memref<204800x128xf32, #tpu.memory_space<hbm>> -> memref<128x128xf32, #tpu.memory_space<hbm>>
      %dma_start3A_179 = arith.constant 0 : i32
      %dma_start3A_180 = tpu.memref_slice %arg4[%add3A_176, %dma_start3A_179] : memref<204800x128xf32, #tpu.memory_space<hbm>> -> memref<128x128xf32, #tpu.memory_space<hbm>>
      tpu.enqueue_dma source(%arg7 : memref<128x128xf32, #tpu.memory_space<vmem>>) target(%dma_start3A_180 : memref<128x128xf32, #tpu.memory_space<hbm>>) target_semaphore(%arg18 : memref<!tpu.dma_semaphore, #tpu.memory_space<semaphore_mem>>)
      %dma_wait3A_181 = arith.constant 0 : i32
      %dma_wait3A_182 = tpu.memref_slice %arg5[%mul3A_150, %dma_wait3A_181] : memref<50x128xi32, #tpu.memory_space<vmem>> -> memref<1x128xi32, #tpu.memory_space<vmem>>
      %dma_wait3A_183 = tpu.memref_squeeze %dma_wait3A_182 : memref<1x128xi32, #tpu.memory_space<vmem>> -> memref<128xi32, #tpu.memory_space<vmem>>
      %dma_wait3A_184 = arith.constant 0 : i32
      %dma_wait3A_185 = arith.constant 0 : i32
      %dma_wait3A_186 = tpu.memref_slice %arg11[%dma_wait3A_184, %dma_wait3A_185] : memref<1000x128xf32, #tpu.memory_space<vmem_shared>> -> memref<1000x128xf32, #tpu.memory_space<vmem_shared>>
      tpu.wait_indirect_dma semaphore(%arg14 : memref<!tpu.dma_semaphore, #tpu.memory_space<semaphore_mem>>) src(%dma_wait3A_186 : memref<1000x128xf32, #tpu.memory_space<vmem_shared>>) dst(%arg8 : memref<128x128xf32, #tpu.memory_space<vmem>>)
      %add3A_187 = arith.constant 2 : i32
      %add3A_188 = arith.addi %mul3A_150, %add3A_187 : i32
      %mul3A_189 = arith.constant 4096 : i32
      %mul3A_190 = arith.muli %add3A_188, %mul3A_189 : i32
      %add3A_191 = arith.addi %mul3A_190, %multiple_of3A : i32
      %dma_start3A_192 = arith.constant 0 : i32
      %dma_start3A_193 = tpu.memref_slice %arg4[%add3A_191, %dma_start3A_192] : memref<204800x128xf32, #tpu.memory_space<hbm>> -> memref<128x128xf32, #tpu.memory_space<hbm>>
      %dma_start3A_194 = arith.constant 0 : i32
      %dma_start3A_195 = tpu.memref_slice %arg4[%add3A_191, %dma_start3A_194] : memref<204800x128xf32, #tpu.memory_space<hbm>> -> memref<128x128xf32, #tpu.memory_space<hbm>>
      tpu.enqueue_dma source(%arg8 : memref<128x128xf32, #tpu.memory_space<vmem>>) target(%dma_start3A_195 : memref<128x128xf32, #tpu.memory_space<hbm>>) target_semaphore(%arg19 : memref<!tpu.dma_semaphore, #tpu.memory_space<semaphore_mem>>)
      %dma_wait3A_196 = arith.constant 0 : i32
      %dma_wait3A_197 = tpu.memref_slice %arg5[%mul3A_150, %dma_wait3A_196] : memref<50x128xi32, #tpu.memory_space<vmem>> -> memref<1x128xi32, #tpu.memory_space<vmem>>
      %dma_wait3A_198 = tpu.memref_squeeze %dma_wait3A_197 : memref<1x128xi32, #tpu.memory_space<vmem>> -> memref<128xi32, #tpu.memory_space<vmem>>
      %dma_wait3A_199 = arith.constant 0 : i32
      %dma_wait3A_200 = arith.constant 0 : i32
      %dma_wait3A_201 = tpu.memref_slice %arg11[%dma_wait3A_199, %dma_wait3A_200] : memref<1000x128xf32, #tpu.memory_space<vmem_shared>> -> memref<1000x128xf32, #tpu.memory_space<vmem_shared>>
      tpu.wait_indirect_dma semaphore(%arg15 : memref<!tpu.dma_semaphore, #tpu.memory_space<semaphore_mem>>) src(%dma_wait3A_201 : memref<1000x128xf32, #tpu.memory_space<vmem_shared>>) dst(%arg9 : memref<128x128xf32, #tpu.memory_space<vmem>>)
      %add3A_202 = arith.constant 3 : i32
      %add3A_203 = arith.addi %mul3A_150, %add3A_202 : i32
      %mul3A_204 = arith.constant 4096 : i32
      %mul3A_205 = arith.muli %add3A_203, %mul3A_204 : i32
      %add3A_206 = arith.addi %mul3A_205, %multiple_of3A : i32
      %dma_start3A_207 = arith.constant 0 : i32
      %dma_start3A_208 = tpu.memref_slice %arg4[%add3A_206, %dma_start3A_207] : memref<204800x128xf32, #tpu.memory_space<hbm>> -> memref<128x128xf32, #tpu.memory_space<hbm>>
      %dma_start3A_209 = arith.constant 0 : i32
      %dma_start3A_210 = tpu.memref_slice %arg4[%add3A_206, %dma_start3A_209] : memref<204800x128xf32, #tpu.memory_space<hbm>> -> memref<128x128xf32, #tpu.memory_space<hbm>>
      tpu.enqueue_dma source(%arg9 : memref<128x128xf32, #tpu.memory_space<vmem>>) target(%dma_start3A_210 : memref<128x128xf32, #tpu.memory_space<hbm>>) target_semaphore(%arg20 : memref<!tpu.dma_semaphore, #tpu.memory_space<semaphore_mem>>)
      %dma_wait3A_211 = arith.constant 0 : i32
      %dma_wait3A_212 = tpu.memref_slice %arg5[%mul3A_150, %dma_wait3A_211] : memref<50x128xi32, #tpu.memory_space<vmem>> -> memref<1x128xi32, #tpu.memory_space<vmem>>
      %dma_wait3A_213 = tpu.memref_squeeze %dma_wait3A_212 : memref<1x128xi32, #tpu.memory_space<vmem>> -> memref<128xi32, #tpu.memory_space<vmem>>
      %dma_wait3A_214 = arith.constant 0 : i32
      %dma_wait3A_215 = arith.constant 0 : i32
      %dma_wait3A_216 = tpu.memref_slice %arg11[%dma_wait3A_214, %dma_wait3A_215] : memref<1000x128xf32, #tpu.memory_space<vmem_shared>> -> memref<1000x128xf32, #tpu.memory_space<vmem_shared>>
      tpu.wait_indirect_dma semaphore(%arg16 : memref<!tpu.dma_semaphore, #tpu.memory_space<semaphore_mem>>) src(%dma_wait3A_216 : memref<1000x128xf32, #tpu.memory_space<vmem_shared>>) dst(%arg10 : memref<128x128xf32, #tpu.memory_space<vmem>>)
      %add3A_217 = arith.constant 4 : i32
      %add3A_218 = arith.addi %mul3A_150, %add3A_217 : i32
      %mul3A_219 = arith.constant 4096 : i32
      %mul3A_220 = arith.muli %add3A_218, %mul3A_219 : i32
      %add3A_221 = arith.addi %mul3A_220, %multiple_of3A : i32
      %dma_start3A_222 = arith.constant 0 : i32
      %dma_start3A_223 = tpu.memref_slice %arg4[%add3A_221, %dma_start3A_222] : memref<204800x128xf32, #tpu.memory_space<hbm>> -> memref<128x128xf32, #tpu.memory_space<hbm>>
      %dma_start3A_224 = arith.constant 0 : i32
      %dma_start3A_225 = tpu.memref_slice %arg4[%add3A_221, %dma_start3A_224] : memref<204800x128xf32, #tpu.memory_space<hbm>> -> memref<128x128xf32, #tpu.memory_space<hbm>>
      tpu.enqueue_dma source(%arg10 : memref<128x128xf32, #tpu.memory_space<vmem>>) target(%dma_start3A_225 : memref<128x128xf32, #tpu.memory_space<hbm>>) target_semaphore(%arg21 : memref<!tpu.dma_semaphore, #tpu.memory_space<semaphore_mem>>)
      %lt3A = arith.constant 9 : i32
      %lt3A_226 = arith.cmpi slt, %scan3A_148, %lt3A : i32
      %convert_element_type3A_227 = arith.extui %lt3A_226 : i1 to i32
      %cond3A_228 = arith.constant 0 : i32
      %cond3A_229 = arith.cmpi ne, %convert_element_type3A_227, %cond3A_228 : i32
      scf.if %cond3A_229 {
        %add3A_230 = arith.constant 0 : i32
        %add3A_231 = arith.addi %mul3A_150, %add3A_230 : i32
        %mul3A_232 = arith.constant 4096 : i32
        %mul3A_233 = arith.muli %add3A_231, %mul3A_232 : i32
        %add3A_234 = arith.addi %mul3A_233, %multiple_of3A : i32
        %dma_wait3A_235 = arith.constant 0 : i32
        %dma_wait3A_236 = tpu.memref_slice %arg4[%add3A_234, %dma_wait3A_235] : memref<204800x128xf32, #tpu.memory_space<hbm>> -> memref<128x128xf32, #tpu.memory_space<hbm>>
        %dma_wait3A_237 = arith.constant 0 : i32
        %dma_wait3A_238 = tpu.memref_slice %arg4[%add3A_234, %dma_wait3A_237] : memref<204800x128xf32, #tpu.memory_space<hbm>> -> memref<128x128xf32, #tpu.memory_space<hbm>>
        tpu.wait_dma2 semaphore(%arg17 : memref<!tpu.dma_semaphore, #tpu.memory_space<semaphore_mem>>) src(%arg6 : memref<128x128xf32, #tpu.memory_space<vmem>>) dst(%dma_wait3A_238 : memref<128x128xf32, #tpu.memory_space<hbm>>)
        %add3A_239 = arith.constant 5 : i32
        %add3A_240 = arith.addi %mul3A_150, %add3A_239 : i32
        %add3A_241 = arith.constant 0 : i32
        %add3A_242 = arith.addi %add3A_240, %add3A_241 : i32
        %dma_start3A_243 = arith.constant 0 : i32
        %dma_start3A_244 = tpu.memref_slice %arg5[%add3A_242, %dma_start3A_243] : memref<50x128xi32, #tpu.memory_space<vmem>> -> memref<1x128xi32, #tpu.memory_space<vmem>>
        %dma_start3A_245 = tpu.memref_squeeze %dma_start3A_244 : memref<1x128xi32, #tpu.memory_space<vmem>> -> memref<128xi32, #tpu.memory_space<vmem>>
        %dma_start3A_246 = arith.constant 0 : i32
        %dma_start3A_247 = arith.constant 0 : i32
        %dma_start3A_248 = tpu.memref_slice %arg11[%dma_start3A_246, %dma_start3A_247] : memref<1000x128xf32, #tpu.memory_space<vmem_shared>> -> memref<1000x128xf32, #tpu.memory_space<vmem_shared>>
        tpu.enqueue_indirect_dma source(%dma_start3A_248 : memref<1000x128xf32, #tpu.memory_space<vmem_shared>>) target(%arg6 : memref<128x128xf32, #tpu.memory_space<vmem>>) offsets(%dma_start3A_245 : memref<128xi32, #tpu.memory_space<vmem>>) semaphore(%arg12 : memref<!tpu.dma_semaphore, #tpu.memory_space<semaphore_mem>>)
        %add3A_249 = arith.constant 1 : i32
        %add3A_250 = arith.addi %mul3A_150, %add3A_249 : i32
        %mul3A_251 = arith.constant 4096 : i32
        %mul3A_252 = arith.muli %add3A_250, %mul3A_251 : i32
        %add3A_253 = arith.addi %mul3A_252, %multiple_of3A : i32
        %dma_wait3A_254 = arith.constant 0 : i32
        %dma_wait3A_255 = tpu.memref_slice %arg4[%add3A_253, %dma_wait3A_254] : memref<204800x128xf32, #tpu.memory_space<hbm>> -> memref<128x128xf32, #tpu.memory_space<hbm>>
        %dma_wait3A_256 = arith.constant 0 : i32
        %dma_wait3A_257 = tpu.memref_slice %arg4[%add3A_253, %dma_wait3A_256] : memref<204800x128xf32, #tpu.memory_space<hbm>> -> memref<128x128xf32, #tpu.memory_space<hbm>>
        tpu.wait_dma2 semaphore(%arg18 : memref<!tpu.dma_semaphore, #tpu.memory_space<semaphore_mem>>) src(%arg7 : memref<128x128xf32, #tpu.memory_space<vmem>>) dst(%dma_wait3A_257 : memref<128x128xf32, #tpu.memory_space<hbm>>)
        %add3A_258 = arith.constant 5 : i32
        %add3A_259 = arith.addi %mul3A_150, %add3A_258 : i32
        %add3A_260 = arith.constant 1 : i32
        %add3A_261 = arith.addi %add3A_259, %add3A_260 : i32
        %dma_start3A_262 = arith.constant 0 : i32
        %dma_start3A_263 = tpu.memref_slice %arg5[%add3A_261, %dma_start3A_262] : memref<50x128xi32, #tpu.memory_space<vmem>> -> memref<1x128xi32, #tpu.memory_space<vmem>>
        %dma_start3A_264 = tpu.memref_squeeze %dma_start3A_263 : memref<1x128xi32, #tpu.memory_space<vmem>> -> memref<128xi32, #tpu.memory_space<vmem>>
        %dma_start3A_265 = arith.constant 0 : i32
        %dma_start3A_266 = arith.constant 0 : i32
        %dma_start3A_267 = tpu.memref_slice %arg11[%dma_start3A_265, %dma_start3A_266] : memref<1000x128xf32, #tpu.memory_space<vmem_shared>> -> memref<1000x128xf32, #tpu.memory_space<vmem_shared>>
        tpu.enqueue_indirect_dma source(%dma_start3A_267 : memref<1000x128xf32, #tpu.memory_space<vmem_shared>>) target(%arg7 : memref<128x128xf32, #tpu.memory_space<vmem>>) offsets(%dma_start3A_264 : memref<128xi32, #tpu.memory_space<vmem>>) semaphore(%arg13 : memref<!tpu.dma_semaphore, #tpu.memory_space<semaphore_mem>>)
        %add3A_268 = arith.constant 2 : i32
        %add3A_269 = arith.addi %mul3A_150, %add3A_268 : i32
        %mul3A_270 = arith.constant 4096 : i32
        %mul3A_271 = arith.muli %add3A_269, %mul3A_270 : i32
        %add3A_272 = arith.addi %mul3A_271, %multiple_of3A : i32
        %dma_wait3A_273 = arith.constant 0 : i32
        %dma_wait3A_274 = tpu.memref_slice %arg4[%add3A_272, %dma_wait3A_273] : memref<204800x128xf32, #tpu.memory_space<hbm>> -> memref<128x128xf32, #tpu.memory_space<hbm>>
        %dma_wait3A_275 = arith.constant 0 : i32
        %dma_wait3A_276 = tpu.memref_slice %arg4[%add3A_272, %dma_wait3A_275] : memref<204800x128xf32, #tpu.memory_space<hbm>> -> memref<128x128xf32, #tpu.memory_space<hbm>>
        tpu.wait_dma2 semaphore(%arg19 : memref<!tpu.dma_semaphore, #tpu.memory_space<semaphore_mem>>) src(%arg8 : memref<128x128xf32, #tpu.memory_space<vmem>>) dst(%dma_wait3A_276 : memref<128x128xf32, #tpu.memory_space<hbm>>)
        %add3A_277 = arith.constant 5 : i32
        %add3A_278 = arith.addi %mul3A_150, %add3A_277 : i32
        %add3A_279 = arith.constant 2 : i32
        %add3A_280 = arith.addi %add3A_278, %add3A_279 : i32
        %dma_start3A_281 = arith.constant 0 : i32
        %dma_start3A_282 = tpu.memref_slice %arg5[%add3A_280, %dma_start3A_281] : memref<50x128xi32, #tpu.memory_space<vmem>> -> memref<1x128xi32, #tpu.memory_space<vmem>>
        %dma_start3A_283 = tpu.memref_squeeze %dma_start3A_282 : memref<1x128xi32, #tpu.memory_space<vmem>> -> memref<128xi32, #tpu.memory_space<vmem>>
        %dma_start3A_284 = arith.constant 0 : i32
        %dma_start3A_285 = arith.constant 0 : i32
        %dma_start3A_286 = tpu.memref_slice %arg11[%dma_start3A_284, %dma_start3A_285] : memref<1000x128xf32, #tpu.memory_space<vmem_shared>> -> memref<1000x128xf32, #tpu.memory_space<vmem_shared>>
        tpu.enqueue_indirect_dma source(%dma_start3A_286 : memref<1000x128xf32, #tpu.memory_space<vmem_shared>>) target(%arg8 : memref<128x128xf32, #tpu.memory_space<vmem>>) offsets(%dma_start3A_283 : memref<128xi32, #tpu.memory_space<vmem>>) semaphore(%arg14 : memref<!tpu.dma_semaphore, #tpu.memory_space<semaphore_mem>>)
        %add3A_287 = arith.constant 3 : i32
        %add3A_288 = arith.addi %mul3A_150, %add3A_287 : i32
        %mul3A_289 = arith.constant 4096 : i32
        %mul3A_290 = arith.muli %add3A_288, %mul3A_289 : i32
        %add3A_291 = arith.addi %mul3A_290, %multiple_of3A : i32
        %dma_wait3A_292 = arith.constant 0 : i32
        %dma_wait3A_293 = tpu.memref_slice %arg4[%add3A_291, %dma_wait3A_292] : memref<204800x128xf32, #tpu.memory_space<hbm>> -> memref<128x128xf32, #tpu.memory_space<hbm>>
        %dma_wait3A_294 = arith.constant 0 : i32
        %dma_wait3A_295 = tpu.memref_slice %arg4[%add3A_291, %dma_wait3A_294] : memref<204800x128xf32, #tpu.memory_space<hbm>> -> memref<128x128xf32, #tpu.memory_space<hbm>>
        tpu.wait_dma2 semaphore(%arg20 : memref<!tpu.dma_semaphore, #tpu.memory_space<semaphore_mem>>) src(%arg9 : memref<128x128xf32, #tpu.memory_space<vmem>>) dst(%dma_wait3A_295 : memref<128x128xf32, #tpu.memory_space<hbm>>)
        %add3A_296 = arith.constant 5 : i32
        %add3A_297 = arith.addi %mul3A_150, %add3A_296 : i32
        %add3A_298 = arith.constant 3 : i32
        %add3A_299 = arith.addi %add3A_297, %add3A_298 : i32
        %dma_start3A_300 = arith.constant 0 : i32
        %dma_start3A_301 = tpu.memref_slice %arg5[%add3A_299, %dma_start3A_300] : memref<50x128xi32, #tpu.memory_space<vmem>> -> memref<1x128xi32, #tpu.memory_space<vmem>>
        %dma_start3A_302 = tpu.memref_squeeze %dma_start3A_301 : memref<1x128xi32, #tpu.memory_space<vmem>> -> memref<128xi32, #tpu.memory_space<vmem>>
        %dma_start3A_303 = arith.constant 0 : i32
        %dma_start3A_304 = arith.constant 0 : i32
        %dma_start3A_305 = tpu.memref_slice %arg11[%dma_start3A_303, %dma_start3A_304] : memref<1000x128xf32, #tpu.memory_space<vmem_shared>> -> memref<1000x128xf32, #tpu.memory_space<vmem_shared>>
        tpu.enqueue_indirect_dma source(%dma_start3A_305 : memref<1000x128xf32, #tpu.memory_space<vmem_shared>>) target(%arg9 : memref<128x128xf32, #tpu.memory_space<vmem>>) offsets(%dma_start3A_302 : memref<128xi32, #tpu.memory_space<vmem>>) semaphore(%arg15 : memref<!tpu.dma_semaphore, #tpu.memory_space<semaphore_mem>>)
        %add3A_306 = arith.constant 4 : i32
        %add3A_307 = arith.addi %mul3A_150, %add3A_306 : i32
        %mul3A_308 = arith.constant 4096 : i32
        %mul3A_309 = arith.muli %add3A_307, %mul3A_308 : i32
        %add3A_310 = arith.addi %mul3A_309, %multiple_of3A : i32
        %dma_wait3A_311 = arith.constant 0 : i32
        %dma_wait3A_312 = tpu.memref_slice %arg4[%add3A_310, %dma_wait3A_311] : memref<204800x128xf32, #tpu.memory_space<hbm>> -> memref<128x128xf32, #tpu.memory_space<hbm>>
        %dma_wait3A_313 = arith.constant 0 : i32
        %dma_wait3A_314 = tpu.memref_slice %arg4[%add3A_310, %dma_wait3A_313] : memref<204800x128xf32, #tpu.memory_space<hbm>> -> memref<128x128xf32, #tpu.memory_space<hbm>>
        tpu.wait_dma2 semaphore(%arg21 : memref<!tpu.dma_semaphore, #tpu.memory_space<semaphore_mem>>) src(%arg10 : memref<128x128xf32, #tpu.memory_space<vmem>>) dst(%dma_wait3A_314 : memref<128x128xf32, #tpu.memory_space<hbm>>)
        %add3A_315 = arith.constant 5 : i32
        %add3A_316 = arith.addi %mul3A_150, %add3A_315 : i32
        %add3A_317 = arith.constant 4 : i32
        %add3A_318 = arith.addi %add3A_316, %add3A_317 : i32
        %dma_start3A_319 = arith.constant 0 : i32
        %dma_start3A_320 = tpu.memref_slice %arg5[%add3A_318, %dma_start3A_319] : memref<50x128xi32, #tpu.memory_space<vmem>> -> memref<1x128xi32, #tpu.memory_space<vmem>>
        %dma_start3A_321 = tpu.memref_squeeze %dma_start3A_320 : memref<1x128xi32, #tpu.memory_space<vmem>> -> memref<128xi32, #tpu.memory_space<vmem>>
        %dma_start3A_322 = arith.constant 0 : i32
        %dma_start3A_323 = arith.constant 0 : i32
        %dma_start3A_324 = tpu.memref_slice %arg11[%dma_start3A_322, %dma_start3A_323] : memref<1000x128xf32, #tpu.memory_space<vmem_shared>> -> memref<1000x128xf32, #tpu.memory_space<vmem_shared>>
        tpu.enqueue_indirect_dma source(%dma_start3A_324 : memref<1000x128xf32, #tpu.memory_space<vmem_shared>>) target(%arg10 : memref<128x128xf32, #tpu.memory_space<vmem>>) offsets(%dma_start3A_321 : memref<128xi32, #tpu.memory_space<vmem>>) semaphore(%arg16 : memref<!tpu.dma_semaphore, #tpu.memory_space<semaphore_mem>>)
      } else {
      }
    }
    %scan3A_118 = arith.constant 10 : i32
    %add3A_119 = arith.constant 184320 : i32
    %add3A_120 = arith.addi %add3A_119, %multiple_of3A : i32
    %dma_wait3A = arith.constant 0 : i32
    %dma_wait3A_121 = tpu.memref_slice %arg4[%add3A_120, %dma_wait3A] : memref<204800x128xf32, #tpu.memory_space<hbm>> -> memref<128x128xf32, #tpu.memory_space<hbm>>
    %dma_wait3A_122 = arith.constant 0 : i32
    %dma_wait3A_123 = tpu.memref_slice %arg4[%add3A_120, %dma_wait3A_122] : memref<204800x128xf32, #tpu.memory_space<hbm>> -> memref<128x128xf32, #tpu.memory_space<hbm>>
    tpu.wait_dma2 semaphore(%arg17 : memref<!tpu.dma_semaphore, #tpu.memory_space<semaphore_mem>>) src(%arg6 : memref<128x128xf32, #tpu.memory_space<vmem>>) dst(%dma_wait3A_123 : memref<128x128xf32, #tpu.memory_space<hbm>>)
    %add3A_124 = arith.constant 188416 : i32
    %add3A_125 = arith.addi %add3A_124, %multiple_of3A : i32
    %dma_wait3A_126 = arith.constant 0 : i32
    %dma_wait3A_127 = tpu.memref_slice %arg4[%add3A_125, %dma_wait3A_126] : memref<204800x128xf32, #tpu.memory_space<hbm>> -> memref<128x128xf32, #tpu.memory_space<hbm>>
    %dma_wait3A_128 = arith.constant 0 : i32
    %dma_wait3A_129 = tpu.memref_slice %arg4[%add3A_125, %dma_wait3A_128] : memref<204800x128xf32, #tpu.memory_space<hbm>> -> memref<128x128xf32, #tpu.memory_space<hbm>>
    tpu.wait_dma2 semaphore(%arg18 : memref<!tpu.dma_semaphore, #tpu.memory_space<semaphore_mem>>) src(%arg7 : memref<128x128xf32, #tpu.memory_space<vmem>>) dst(%dma_wait3A_129 : memref<128x128xf32, #tpu.memory_space<hbm>>)
    %add3A_130 = arith.constant 192512 : i32
    %add3A_131 = arith.addi %add3A_130, %multiple_of3A : i32
    %dma_wait3A_132 = arith.constant 0 : i32
    %dma_wait3A_133 = tpu.memref_slice %arg4[%add3A_131, %dma_wait3A_132] : memref<204800x128xf32, #tpu.memory_space<hbm>> -> memref<128x128xf32, #tpu.memory_space<hbm>>
    %dma_wait3A_134 = arith.constant 0 : i32
    %dma_wait3A_135 = tpu.memref_slice %arg4[%add3A_131, %dma_wait3A_134] : memref<204800x128xf32, #tpu.memory_space<hbm>> -> memref<128x128xf32, #tpu.memory_space<hbm>>
    tpu.wait_dma2 semaphore(%arg19 : memref<!tpu.dma_semaphore, #tpu.memory_space<semaphore_mem>>) src(%arg8 : memref<128x128xf32, #tpu.memory_space<vmem>>) dst(%dma_wait3A_135 : memref<128x128xf32, #tpu.memory_space<hbm>>)
    %add3A_136 = arith.constant 196608 : i32
    %add3A_137 = arith.addi %add3A_136, %multiple_of3A : i32
    %dma_wait3A_138 = arith.constant 0 : i32
    %dma_wait3A_139 = tpu.memref_slice %arg4[%add3A_137, %dma_wait3A_138] : memref<204800x128xf32, #tpu.memory_space<hbm>> -> memref<128x128xf32, #tpu.memory_space<hbm>>
    %dma_wait3A_140 = arith.constant 0 : i32
    %dma_wait3A_141 = tpu.memref_slice %arg4[%add3A_137, %dma_wait3A_140] : memref<204800x128xf32, #tpu.memory_space<hbm>> -> memref<128x128xf32, #tpu.memory_space<hbm>>
    tpu.wait_dma2 semaphore(%arg20 : memref<!tpu.dma_semaphore, #tpu.memory_space<semaphore_mem>>) src(%arg9 : memref<128x128xf32, #tpu.memory_space<vmem>>) dst(%dma_wait3A_141 : memref<128x128xf32, #tpu.memory_space<hbm>>)
    %add3A_142 = arith.constant 200704 : i32
    %add3A_143 = arith.addi %add3A_142, %multiple_of3A : i32
    %dma_wait3A_144 = arith.constant 0 : i32
    %dma_wait3A_145 = tpu.memref_slice %arg4[%add3A_143, %dma_wait3A_144] : memref<204800x128xf32, #tpu.memory_space<hbm>> -> memref<128x128xf32, #tpu.memory_space<hbm>>
    %dma_wait3A_146 = arith.constant 0 : i32
    %dma_wait3A_147 = tpu.memref_slice %arg4[%add3A_143, %dma_wait3A_146] : memref<204800x128xf32, #tpu.memory_space<hbm>> -> memref<128x128xf32, #tpu.memory_space<hbm>>
    tpu.wait_dma2 semaphore(%arg21 : memref<!tpu.dma_semaphore, #tpu.memory_space<semaphore_mem>>) src(%arg10 : memref<128x128xf32, #tpu.memory_space<vmem>>) dst(%dma_wait3A_147 : memref<128x128xf32, #tpu.memory_space<hbm>>)
    return
  }
}

module attributes {stable_mosaic.version = 14 : i64} {
  func.func @_linear_body(%arg0: i32, %arg1: memref<512x128xf32, #tpu.memory_space<vmem>>, %arg2: memref<128x128xf32, #tpu.memory_space<vmem>>, %arg3: memref<1x128xf32, #tpu.memory_space<vmem>>, %arg4: memref<512x128xf32, #tpu.memory_space<vmem>>) attributes {dimension_semantics = [#tpu.dimension_semantics<arbitrary>], iteration_bounds = array<i64: 8>, scalar_prefetch = 0 : i64, scratch_operands = 0 : i64, tpu.core_type = #tpu.core_type<tc>, window_params = [{transform_indices = @transform_0, window_bounds = array<i64: 512, 128>}, {pipeline_mode = #tpu.pipeline_mode<synchronous>, transform_indices = @transform_1, window_bounds = array<i64: 128, 128>}, {pipeline_mode = #tpu.pipeline_mode<synchronous>, transform_indices = @transform_2, window_bounds = array<i64: 1, 128>}, {transform_indices = @transform_3, window_bounds = array<i64: 512, 128>}]} {
    %get3A = arith.constant 0 : index
    %get3A_0 = arith.constant 0 : index
    %get3A_1 = vector.load %arg1[%get3A, %get3A_0] : memref<512x128xf32, #tpu.memory_space<vmem>>, vector<512x128xf32>
    %get3A_2 = arith.constant 0 : index
    %get3A_3 = arith.constant 0 : index
    %get3A_4 = vector.load %arg2[%get3A_2, %get3A_3] : memref<128x128xf32, #tpu.memory_space<vmem>>, vector<128x128xf32>
    %dot_general3A = arith.constant dense<0.000000e+00> : vector<512x128xf32>
    %dot_general3A_5 = tpu.matmul %get3A_1, %get3A_4, %dot_general3A {dimension_numbers = #tpu.dot_dimension_numbers<[1], [0], [0], [1], [0, 0, 1, 1], [], []>, transpose_lhs_hint = false} : vector<512x128xf32>, vector<128x128xf32>, vector<512x128xf32> -> vector<512x128xf32>
    %get3A_6 = arith.constant 0 : index
    %get3A_7 = arith.constant 0 : index
    %get3A_8 = vector.load %arg3[%get3A_6, %get3A_7] : memref<1x128xf32, #tpu.memory_space<vmem>>, vector<1x128xf32>
    %add3A = vector.broadcast %get3A_8 : vector<1x128xf32> to vector<512x128xf32>
    %add3A_9 = arith.addf %dot_general3A_5, %add3A : vector<512x128xf32>
    %swap3A = arith.constant 0 : index
    %swap3A_10 = arith.constant 0 : index
    %swap3A_11 = vector.load %arg4[%swap3A, %swap3A_10] : memref<512x128xf32, #tpu.memory_space<vmem>>, vector<512x128xf32>
    tpu.vector_store %arg4[%swap3A, %swap3A_10], %add3A_9 {strides = array<i32>} : memref<512x128xf32, #tpu.memory_space<vmem>>, vector<512x128xf32>,
    return
  }
  func.func @transform_0(%arg0: i32) -> (i32, i32) {
    %c0_i32 = arith.constant 0 : i32
    %c0_i32_0 = arith.constant 0 : i32
    return %arg0, %c0_i32 : i32, i32
  }
  func.func @transform_1(%arg0: i32) -> (i32, i32) {
    %c0_i32 = arith.constant 0 : i32
    %c0_i32_0 = arith.constant 0 : i32
    %c0_i32_1 = arith.constant 0 : i32
    return %c0_i32, %c0_i32_0 : i32, i32
  }
  func.func @transform_2(%arg0: i32) -> (i32, i32) {
    %c0_i32 = arith.constant 0 : i32
    %c0_i32_0 = arith.constant 0 : i32
    %c0_i32_1 = arith.constant 0 : i32
    return %c0_i32, %c0_i32_0 : i32, i32
  }
  func.func @transform_3(%arg0: i32) -> (i32, i32) {
    %c0_i32 = arith.constant 0 : i32
    %c0_i32_0 = arith.constant 0 : i32
    return %arg0, %c0_i32 : i32, i32
  }
}

</mosaic_0001>

<sc_bundles>
// kernel: kernel.4.cloned.1.call-start
scs
__scs_entry_jumppad:
0x0: {  	(pc) =	sbr.rel $0x88, $3  }
0x1: {  	(tag) =	ssettag $0x0;
	lr =	simm.s32 $0x1  }
0x2: {  	[smem:$0x3F9C] =	sst lr;
	_ =	strace $0xD0000000  }
0x3: {  	_ = 	snop  }
0x4: {  	_ = 	snop  }
0x5: {  	_ = 	snop  }
0x6: {  	_ = 	snop  }
0x7: {  	_ = 	snop  }
__scs_overlays_trampoline_lowered:
0x8: {  	[smem:$0x3FAB] =	sst s0  }
0x9: {  	[smem:$0x3FAC] =	sst s1  }
0xa: {  	[smem:$0x3FAD] =	sst s2  }
0xb: {  	[smem:$0x3FAE] =	sst s3  }
0xc: {  	[smem:$0x3FAF] =	sst s4  }
0xd: {  	[smem:$0x3FB0] =	sst s5  }
0xe: {  	[smem:$0x3FB1] =	sst s6  }
0xf: {  	[smem:$0x3FB2] =	sst s7  }
0x10: {  	[smem:$0x3FB3] =	sst s8  }
0x11: {  	[smem:$0x3FB4] =	sst s9;
	s0 =	simm.s32 @!p0 $0x0  }
0x12: {  	s1 =	sld [smem:$0x3F9A];
	s0 =	simm.s32 @p0 $0x1  }
0x13: {  	[smem:$0x3FB5] =	sst s0;
	s0 =	simm.s32 @!p1 $0x0  }
0x14: {  	s2 =	sld [smem:$0x3F99];
	s0 =	simm.s32 @p1 $0x1  }
0x15: {  	[smem:$0x3FB6] =	sst s0;
	s0 =	simm.s32 @!p2 $0x0  }
0x16: {  	s3 =	sld [smem:$0x3FDB];
	s0 =	simm.s32 @p2 $0x1  }
0x17: {  	s4 =	simm.s32 $0x1BF5;
	[smem:$0x3FB8] =	sst s0  }
0x18: {  	s0 =	sld [smem:$0x3F9B];
	_ =	swait.ge [sflag:s4], $0x0  }
0x19: {  	s7 =	sld [smem:$0x3F9C]  }
0x1a: {  	s8 =	sadd.s32 $0xFFFFE003, lr  }
0x1b: {  	s9 =	sadd.s32 $0xFFFFFEF7, lr;
	s5 =	simm.s32 $0xFFFFFFFF;
	p2 =	slt.u32 s8, $0xFFFFF086  }
0x1c: {  	p1 =	slt.u32 s9, $0xF7A;
	s5 =	simm.s32 @!p2 $0x0  }
0x1d: {  	s5 =	simm.s32 @p1 $0x1;
	p0 =	seq.s32 s7, s2  }
0x1e: {  	s7 =	smul.u32 @!p0 $0xF7A, s2;
	p2 =	seq.s32 @!p0 s5, $0x0  }
0x1f: {  	s9 =	smul.u32 $0xF7A, s1;
	s8 =	simm.s32 @!p0 $0x1BF5;
	p2 =	por !p2, p0  }
0x20: {  	[sflag:s8] =	ssyncset.s32 @!p0 $0xFFFFF086;
	s6 =	sadd.s32 @!p0 s3, s7;
	s7 =	simm.s32 @!p0 $0x108  }
0x21: {  	s3 =	sadd.s32 s3, s9;
	s6 =	sadd.s32 @!p0 $0x88, s6;
	s7 =	simm.s32 @p2 $0x1082  }
0x22: {  	[simem:s7], [sflag:s8] =	dma.local @!p0 [hbm:s6], $0xF7A  }
0x23: {  	s9 =	sor.u32 $0xD0000000, s2;
	s6 =	simm.s32 $0x108;
	_ =	swait.ge @!p0 [sflag:s8], $0x0  }
0x24: {  	s3 =	sadd.s32 $0x88, s3;
	s6 =	simm.s32 @!p1 $0x1082;
	[sflag:s4] =	ssyncset.s32 $0xFFFFF086  }
0x25: {  	[simem:s6], [sflag:s4] =	dma.local [hbm:s3], $0xF7A  }
0x26: {  	[smem:$0x3F9C] =	sst s1;
	(tag) =	ssettag s2;
	_ =	strace s9  }
0x27: {  	s1 =	sld [smem:$0x3FAC]  }
0x28: {  	s2 =	sld [smem:$0x3FAD]  }
0x29: {  	s4 =	sld [smem:$0x3FAF]  }
0x2a: {  	p0 =	seq.s32 s5, $0x0;
	s5 =	sld [smem:$0x3FB0]  }
0x2b: {  	s6 =	sld [smem:$0x3FB1]  }
0x2c: {  	s7 =	sld [smem:$0x3FB2]  }
0x2d: {  	s3 =	simm.s32 $0x108;
	s8 =	sld [smem:$0x3FB3]  }
0x2e: {  	s3 =	simm.s32 @!p0 $0x1082;
	s9 =	sld [smem:$0x3FB4]  }
0x2f: {  	lr =	sadd.s32 s0, s3;
	s0 =	sld [smem:$0x3FAB]  }
0x30: {  	s3 =	sld [smem:$0x3FAE]  }
0x31: {  	[smem:$0x3FB7] =	sst s10  }
0x32: {  	s10 =	sld [smem:$0x3FB5];
	_ =	sdelay $0x3  }
0x33: {  	p0 =	seq.s32 s10, $0x1;
	s10 =	sld [smem:$0x3FB7];
	_ =	sdelay $0x3  }
0x34: {  	[smem:$0x3FB7] =	sst s10  }
0x35: {  	s10 =	sld [smem:$0x3FB6];
	_ =	sdelay $0x3  }
0x36: {  	p1 =	seq.s32 s10, $0x1;
	s10 =	sld [smem:$0x3FB7];
	_ =	sdelay $0x3  }
0x37: {  	[smem:$0x3FB7] =	sst s10  }
0x38: {  	s10 =	sld [smem:$0x3FB8]  }
0x39: {  	_ = 	snop;
	(pc) =	sbr.ind lr, $3  }
0x3a: {  	_ = 	snop  }
0x3b: {  	_ = 	snop  }
0x3c: {  	p2 =	seq.s32 s10, $0x1;
	s10 =	sld [smem:$0x3FB7]  }
0x3d: {  	_ =	shalt  }
0x3e: {  	_ =	shalt  }
0x3f: {  	_ =	shalt  }
0x40: {  	_ =	shalt  }
0x41: {  	_ =	shalt  }
0x42: {  	_ =	shalt  }
0x43: {  	_ =	shalt  }
0x44: {  	_ =	shalt  }
0x45: {  	_ =	shalt  }
0x46: {  	_ =	shalt  }
0x47: {  	_ =	shalt  }
0x48: {  	_ =	shalt  }
0x49: {  	_ =	shalt  }
0x4a: {  	_ =	shalt  }
0x4b: {  	_ =	shalt  }
0x4c: {  	_ =	shalt  }
0x4d: {  	_ =	shalt  }
0x4e: {  	_ =	shalt  }
0x4f: {  	_ =	shalt  }
0x50: {  	_ =	shalt  }
0x51: {  	_ =	shalt  }
0x52: {  	_ =	shalt  }
0x53: {  	_ =	shalt  }
0x54: {  	_ =	shalt  }
0x55: {  	_ =	shalt  }
0x56: {  	_ =	shalt  }
0x57: {  	_ =	shalt  }
0x58: {  	_ =	shalt  }
0x59: {  	_ =	shalt  }
0x5a: {  	_ =	shalt  }
0x5b: {  	_ =	shalt  }
0x5c: {  	_ =	shalt  }
0x5d: {  	_ =	shalt  }
0x5e: {  	_ =	shalt  }
0x5f: {  	_ =	shalt  }
0x60: {  	_ =	shalt  }
0x61: {  	_ =	shalt  }
0x62: {  	_ =	shalt  }
0x63: {  	_ =	shalt  }
0x64: {  	_ =	shalt  }
0x65: {  	_ =	shalt  }
0x66: {  	_ =	shalt  }
0x67: {  	_ =	shalt  }
0x68: {  	_ =	shalt  }
0x69: {  	_ =	shalt  }
0x6a: {  	_ =	shalt  }
0x6b: {  	_ =	shalt  }
0x6c: {  	_ =	shalt  }
0x6d: {  	_ =	shalt  }
0x6e: {  	_ =	shalt  }
0x6f: {  	_ =	shalt  }
0x70: {  	_ =	shalt  }
0x71: {  	_ =	shalt  }
0x72: {  	_ =	shalt  }
0x73: {  	_ =	shalt  }
0x74: {  	_ =	shalt  }
0x75: {  	_ =	shalt  }
0x76: {  	_ =	shalt  }
0x77: {  	_ =	shalt  }
0x78: {  	_ =	shalt  }
0x79: {  	_ =	shalt  }
0x7a: {  	_ =	shalt  }
0x7b: {  	_ =	shalt  }
0x7c: {  	_ =	shalt  }
0x7d: {  	_ =	shalt  }
0x7e: {  	_ =	shalt  }
0x7f: {  	_ =	shalt  }
0x80: {  	_ =	shalt  }
0x81: {  	_ =	shalt  }
0x82: {  	_ =	shalt  }
0x83: {  	_ =	shalt  }
0x84: {  	_ =	shalt  }
0x85: {  	_ =	shalt  }
0x86: {  	_ =	shalt  }
0x87: {  	_ =	shalt  }
.Lfunc_end0:
.L_simem_size_0:
called_computation_lowered:
.L_overlay_start_0:
0x88: {  	s2 =	sld [smem:$0x3FD9]  }
0x89: {  	s3 =	sld [smem:$0x3FFE];
	_ =	sdelay $0x1  }
0x8a: {  	s1 =	srdreg.scid  }
0x8b: {  	s0 =	sand.u32 $0x1, s1  }
0x8c: {  	s15 =	sshll.u32 s0, $0xA;
	s2 =	sadd.s32 s3, s2  }
0x8d: {  	s2 =	sadd.s32 s2, s15  }
0x8e: {  	[smem:$0x3FC3] =	sst s2  }
0x8f: {  	_ = 	snop  }
0x90: {  	s2 =	sld [smem:$0x3FD0];
	_ =	sdelay $0x1  }
0x91: {  	s16 =	sld [smem:$0x3FC9]  }
0x92: {  	s5 =	simm.s32 $0xA;
	s6 =	simm.s32 $0x10;
	s4 =	sld [smem:$0x3FC7]  }
0x93: {  	[smem:s6], [sflag:s5] =	dma.local [hbm:s2], $0x1  }
0x94: {  	_ =	swait.eq [sflag:s5], $0x1  }
0x95: {  	[sflag:s5] =	ssyncset.done $0x0  }
0x96: {  	[sflag:s5] =	ssyncadd.s32 $0xFFFFFFFF  }
0x97: {  	s17 =	sld [smem:$0x10];
	(tm) =	ssettm $0x1  }
0x98: {  	s18 =	sld [smem:$0x3FFB];
	_ =	sdelay $0x3  }
0x99: {  	_ =	strace s18  }
0x9a: {  	s5 =	sld [smem:$0x3FFC];
	_ =	sdelay $0x3  }
0x9b: {  	_ =	strace s5  }
0x9c: {  	s5 =	sld [smem:$0x3FFD];
	_ =	sdelay $0x3  }
0x9d: {  	_ =	strace s5  }
0x9e: {  	_ =	strace $0x8FFFFFFF  }
0x9f: {  	s19 =	sld [smem:$0x3FDB];
	_ =	sdelay $0x1  }
0xa0: {  	s20 =	simm.s32 $_scs_section_size  }
0xa1: {  	s7 =	simm.s32 $_size__tile_overlayer_lowered;
	s8 =	simm.s32 $_tile_overlayer_lowered  }
0xa2: {  	s23 =	simm.s32 $0x1BFF;
	s22 =	sshll.u32 s8, $0x1;
	s5 =	sadd.s32 s20, s19  }
0xa3: {  	s9 =	simm.s32 $0x0;
	s21 =	sshll.u32 s7, $0x1;
	s7 =	sadd.s32 s22, s5  }
0xa4: {  	[timem:s9], [sflag:s23] =	dma.local [hbm:s7], s21  }
0xa5: {  	_ =	swait.ge [sflag:s23], s21  }
0xa6: {  	s6 =	ssub.s32 $0x0, s21;
	[sflag:s23] =	ssyncset.done $0x0  }
0xa7: {  	[sflag:s23] =	ssyncadd.s32 s6;
	_ =	sdelay $0x1  }
0xa8: {  	s24 =	simm.s32 $0x1B8B  }
0xa9: {  	_ =	swait.ge [sflag:s24], $0x1  }
0xaa: {  	[sflag:s24] =	ssyncset.done $0x0  }
0xab: {  	s25 =	simm.s32 $0x1B8E;
	[sflag:s24] =	ssyncadd.s32 $0xFFFFFFFF  }
0xac: {  	s26 =	simm.s32 $execute0_lowered;
	[smem:$0x3FD2] =	sst s25  }
0xad: {  	s6 =	sshll.u32 s26, $0x1;
	_ =	strace $0x80000046;
	[dreg:$0x1] =	wrdreg $0xFFFFFFFF  }
0xae: {  	s28 =	simm.s32 $_size_execute0_lowered;
	s5 =	sadd.s32 s5, s6;
	[dreg:$0x0] =	wrdreg $0x0  }
0xaf: {  	s6 =	sshll.u32 s28, $0x1;
	[dreg:$0x2] =	wrdreg s5  }
0xb0: {  	[dreg:$0x3] =	wrdreg s6  }
0xb1: {  	[dreg:$0x4] =	wrdreg $0xC0  }
0xb2: {  	_ =	task [dreg:s9], $0x5FFFF  }
0xb3: {  	[dreg:$0x1] =	wrdreg $0xFFFFFFFF  }
0xb4: {  	[dreg:$0x0] =	wrdreg $0x60  }
0xb5: {  	[dreg:$0x2] =	wrdreg s16  }
0xb6: {  	[dreg:$0x3] =	wrdreg s4  }
0xb7: {  	[dreg:$0x4] =	wrdreg s17  }
0xb8: {  	[dreg:$0x5] =	wrdreg $0x15C000  }
0xb9: {  	[dreg:$0x6] =	wrdreg $0x9  }
0xba: {  	_ =	task.clear_ibuf [dreg:s9], $0x7FFFF;
	_ =	strace $0x90000046  }
0xbb: {  	s29 =	simm.s32 $0x9;
	_ =	strace $0x80000048  }
0xbc: {  	_ =	swait.ge [sflag:s29], $0x1  }
0xbd: {  	[sflag:s29] =	ssyncadd.s32 $0xFFFFFFFF  }
0xbe: {  	_ =	strace $0x90000048  }
0xbf: {  	_ =	sfence  }
0xc0: {  	s30 =	sld [smem:$0x0];
	_ =	sdelay $0x2  }
0xc1: {  	s31 =	sshll.u32 s1, $0xD;
	s1 =	sshrl.u32 s1, $0x2  }
0xc2: {  	s3 =	sand.u32 $0x4000, s31;
	s1 =	sadd.s32 s1, s30  }
0xc3: {  	s0 =	sor.u32 s3, s0;
	s1 =	sshll.u32 s1, $0x11  }
0xc4: {  	s0 =	sor.u32 s1, s0  }
0xc5: {  	s0 =	sadd.s32 $0x8F2B, s0  }
0xc6: {  	[sflag:s0] =	ssyncadd.remote.s32 $0x1  }
0xc7: {  	_ =	sfence.sel $0xFFFF  }
0xc8: {  	[dreg:$0x0] =	wrdreg $0xFFFFFFFF;
	(pc) =	sbr.abs _section_cstart, $3  }
0xc9: {  	[dreg:$0x1] =	wrdreg $0xFFFFFFFF  }
0xca: {  	_ =	task.clear_ibuf [dreg:s9], $0x2FFFF;
	_ =	strace $0x9FFFFFFF  }
0xcb: {  	(tm) =	ssettm $0x7FFFFFFF  }
tec
execute0_lowered:
.L_overlay_start_1:
0x0: {  	(tag) =	ssettag $0x1  }
0x1: {  	s22 =	stileid.u32  }
0x2: {  	p0 =	sgt.s32 s22, $0x3  }
0x3: {  	p1 =	sgt.s32 @p0 s22, $0x5  }
0x4: {  	p2 =	por !p1, !p0  }
0x5: {  	p2 =	seq.s32 @!p2 s22, $0x6  }
0x6: {  	p3 =	por p1, !p0;
	p4 =	por @p0 !p2, !p1  }
0x7: {  	p5 =	sgt.s32 @!p0 s22, $0x1;
	p3 =	seq.s32 @!p3 s22, $0x4;
	s0 =	simm.s32 @!p4 $0x0  }
0x8: {  	p2 =	por @p0 p2, !p1;
	p6 =	por @p0 !p3, p1;
	s0 =	simm.s32 @p4 $0x1  }
0x9: {  	p1 =	por @p0 p3, p1;
	[smem:$0x7EA] =	sst s0;
	s0 =	simm.s32 @!p2 $0x0  }
0xa: {  	s0 =	simm.s32 @p2 $0x1;
	p2 =	por !p5, p0;
	s23 =	sld [smem:$0x7EA]  }
0xb: {  	[smem:$0x7EB] =	sst s0;
	s0 =	simm.s32 @!p1 $0x0;
	p2 =	seq.s32 @!p2 s22, $0x2  }
0xc: {  	p3 =	por p5, p0;
	s0 =	simm.s32 @p1 $0x1;
	p1 =	por @!p0 !p2, !p5  }
0xd: {  	p4 =	por @!p0 p2, !p5;
	p2 =	seq.s32 @!p3 s22, $0x0;
	s24 =	sld [smem:$0x7EB]  }
0xe: {  	p3 =	por @!p0 !p2, p5;
	p5 =	por @!p0 p2, p5;
	p2 =	seq.s32 s23, $0x1  }
0xf: {  	p2 =	por p2, !p0  }
0x10: {  	[smem:$0x7EC] =	sst s0;
	s0 =	simm.s32 @!p2 $0x0  }
0x11: {  	s0 =	simm.s32 @p2 $0x1;
	p2 =	seq.s32 s24, $0x1  }
0x12: {  	s25 =	sld [smem:$0x7EC];
	p2 =	por p2, !p0  }
0x13: {  	[smem:$0x7F1] =	sst s0;
	s0 =	simm.s32 @!p2 $0x0  }
0x14: {  	s0 =	simm.s32 @p2 $0x1;
	p2 =	por p6, !p0  }
0x15: {  	p6 =	seq.s32 s25, $0x1;
	[smem:$0x7F2] =	sst s0;
	s0 =	simm.s32 @!p2 $0x0  }
0x16: {  	p6 =	por p6, !p0;
	s0 =	simm.s32 @p2 $0x1  }
0x17: {  	[smem:$0x7F3] =	sst s0;
	s0 =	simm.s32 @!p6 $0x0  }
0x18: {  	p1 =	por p1, p0;
	s0 =	simm.s32 @p6 $0x1  }
0x19: {  	[smem:$0x7F4] =	sst s0;
	s0 =	simm.s32 @!p1 $0x0  }
0x1a: {  	p4 =	por p4, p0;
	p2 =	sgt.s32 s22, $0xB;
	s0 =	simm.s32 @p1 $0x1  }
0x1b: {  	p6 =	por p3, p0;
	[smem:$0x7F5] =	sst s0;
	s0 =	simm.s32 @!p4 $0x0  }
0x1c: {  	p0 =	por p5, p0;
	p1 =	sgt.s32 @p2 s22, $0xD;
	s0 =	simm.s32 @p4 $0x1  }
0x1d: {  	p3 =	por !p1, !p2;
	[smem:$0x7F6] =	sst s0;
	s0 =	simm.s32 @!p0 $0x0  }
0x1e: {  	s0 =	simm.s32 @p0 $0x1;
	p0 =	seq.s32 @!p3 s22, $0xE;
	p3 =	por p1, !p2  }
0x1f: {  	p4 =	seq.s32 @!p3 s22, $0xC;
	p3 =	por @p2 !p0, !p1  }
0x20: {  	s1 =	simm.s32 @!p3 $0x0  }
0x21: {  	p0 =	por @p2 p0, !p1;
	s1 =	simm.s32 @p3 $0x1  }
0x22: {  	[smem:$0x7ED] =	sst s1;
	s1 =	simm.s32 @!p0 $0x0  }
0x23: {  	s1 =	simm.s32 @p0 $0x1;
	p0 =	por @p2 !p4, p1  }
0x24: {  	[smem:$0x7EE] =	sst s1;
	s1 =	simm.s32 @!p0 $0x0  }
0x25: {  	s1 =	simm.s32 @p0 $0x1;
	p0 =	sgt.s32 @!p2 s22, $0x9  }
0x26: {  	p4 =	por @p2 p4, p1;
	p1 =	por !p0, p2  }
0x27: {  	p1 =	seq.s32 @!p1 s22, $0xA  }
0x28: {  	s26 =	rddreg [dreg:$0x2];
	p5 =	por @!p2 !p1, !p0;
	p1 =	por @!p2 p1, !p0  }
0x29: {  	s3 =	rddreg [dreg:$0x3];
	s4 =	simm.s32 $0x0;
	s2 =	simm.s32 @!p1 $0x0  }
0x2a: {  	s5 =	srdreg.scid;
	s28 =	simm.s32 $0x3;
	s2 =	simm.s32 @p1 $0x1  }
0x2b: {  	s29 =	simm.s32 $0x4;
	s30 =	simm.s32 $0x5;
	[smem:$0x7F0] =	sst s2  }
0x2c: {  	s31 =	simm.s32 $0x6;
	s2 =	sand.u32 $0x1, s5;
	s5 =	sld [smem:$0x7ED]  }
0x2d: {  	[smem:$0x7FF] =	sst s4;
	s11 =	sadd.s32 $0x1A000, s3;
	p3 =	por p0, p2  }
0x2e: {  	s12 =	sadd.s32 $0x18000, s3;
	s6 =	sld [smem:$0x7EE];
	p3 =	seq.s32 @!p3 s22, $0x8  }
0x2f: {  	p1 =	por @!p2 !p3, p0;
	p3 =	por @!p2 p3, p0;
	p0 =	seq.s32 s5, $0x1  }
0x30: {  	s13 =	sadd.s32 $0x16000, s3;
	s14 =	sadd.s32 $0x14000, s3;
	p0 =	por p0, !p2  }
0x31: {  	s15 =	sadd.s32 $0x12000, s3;
	[smem:$0x7EF] =	sst s1;
	s5 =	simm.s32 @!p0 $0x0  }
0x32: {  	s7 =	sld [smem:$0x7EF];
	s5 =	simm.s32 @p0 $0x1;
	p0 =	seq.s32 s6, $0x1  }
0x33: {  	s18 =	sadd.s32 $0xC000, s3;
	s23 =	rddreg [dreg:$0x1];
	p0 =	por p0, !p2  }
0x34: {  	s20 =	sadd.s32 $0x3C00, s23;
	[smem:$0x7F8] =	sst s5;
	s5 =	simm.s32 @!p0 $0x0  }
0x35: {  	[smem:$0x7F7] =	sst s0;
	s5 =	simm.s32 @p0 $0x1;
	p0 =	seq.s32 s7, $0x1  }
0x36: {  	s21 =	sadd.s32 $0x3800, s23;
	s0 =	rddreg [dreg:$0x0];
	p0 =	por p0, !p2  }
0x37: {  	s24 =	sadd.s32 $0x3400, s23;
	[smem:$0x7F9] =	sst s5;
	s5 =	simm.s32 @!p0 $0x0  }
0x38: {  	s25 =	sshll.u32 s22, $0xC;
	s8 =	sld [smem:$0x7F0];
	s5 =	simm.s32 @p0 $0x1  }
0x39: {  	p4 =	por p4, !p2;
	s1 =	sadd.s32 s25, s26;
	[smem:$0x7FA] =	sst s5  }
0x3a: {  	s9 =	ssub.s32 $0x2, s2;
	_ =	strace $0x80000047;
	[dreg:$0x5] =	wrdreg s20  }
0x3b: {  	s6 =	sshrl.u32 s9, $0x1;
	s7 =	sshll.u32 s22, $0x8;
	[dreg:$0x6] =	wrdreg s21  }
0x3c: {  	p0 =	seq.s32 s8, $0x1;
	s8 =	sshll.u32 s2, $0x7;
	[dreg:$0x7] =	wrdreg s24  }
0x3d: {  	s6 =	ssub.s32 s9, s6;
	s10 =	sor.u32 s8, s7;
	s26 =	sld [smem:$0x7F1]  }
0x3e: {  	s8 =	sadd.s32 s0, s10;
	s10 =	smax.u32 s6, $0x1;
	s6 =	sld [smem:$0x7F2]  }
0x3f: {  	p5 =	por p5, p2;
	p1 =	por p1, p2;
	s24 =	sld [smem:$0x7F5]  }
0x40: {  	s2 =	sshll.u32 s2, $0xB;
	p0 =	por p0, p2;
	s25 =	sld [smem:$0x7F6]  }
0x41: {  	p2 =	por p3, p2;
	p3 =	seq.s32 s26, $0x1;
	s26 =	sld [smem:$0x7F7]  }
0x42: {  	s5 =	sadd.s32 s2, s1;
	s2 =	sshrl.u32 @!p3 s18, $0x3;
	s18 =	sld [smem:$0x7F3]  }
0x43: {  	s17 =	sadd.s32 $0xE000, s3;
	p3 =	seq.s32 s6, $0x1;
	s6 =	sld [smem:$0x7F9]  }
0x44: {  	s16 =	sadd.s32 $0x10000, s3;
	[dreg:$0x8] =	wrdreg s2;
	s2 =	sshrl.u32 @!p3 s17, $0x3  }
0x45: {  	s20 =	sadd.s32 $0x8000, s3;
	[dreg:$0x9] =	wrdreg s2;
	p3 =	seq.s32 s18, $0x1  }
0x46: {  	s17 =	sadd.s32 $0x2800, s23;
	s2 =	sshrl.u32 @!p3 s20, $0x3;
	s20 =	sld [smem:$0x7F4]  }
0x47: {  	s19 =	sadd.s32 $0xA000, s3;
	[dreg:$0x19] =	wrdreg s17;
	s18 =	sadd.s32 $0x2400, s23  }
0x48: {  	s9 =	sadd.s32 $0x1C000, s3;
	s7 =	sadd.s32 $0x1E000, s3;
	[dreg:$0x1a] =	wrdreg s18  }
0x49: {  	[dreg:$0xa] =	wrdreg s2;
	p3 =	seq.s32 s20, $0x1;
	s20 =	sadd.s32 $0x1C00, s23  }
0x4a: {  	s1 =	sadd.s32 $0x2000, s3;
	s2 =	sshrl.u32 @!p3 s19, $0x3;
	[dreg:$0x1c] =	wrdreg s20  }
0x4b: {  	s21 =	sadd.s32 $0x6000, s3;
	s0 =	sadd.s32 $0x4000, s3;
	[dreg:$0xb] =	wrdreg s2  }
0x4c: {  	s17 =	simm.s32 $0x1C00;
	s19 =	sadd.s32 $0x2000, s23;
	s2 =	sld [smem:$0x7F8]  }
0x4d: {  	p3 =	seq.s32 s24, $0x1;
	s24 =	sadd.s32 $0x1000, s23;
	[dreg:$0x1b] =	wrdreg s19  }
0x4e: {  	s18 =	simm.s32 $0x5C00;
	s0 =	sshrl.u32 @!p3 s0, $0x3;
	[dreg:$0x1f] =	wrdreg s24  }
0x4f: {  	p3 =	seq.s32 s25, $0x1;
	s25 =	sadd.s32 $0xC00, s23;
	[dreg:$0xc] =	wrdreg s0  }
0x50: {  	s20 =	simm.s32 $0x9C00;
	s0 =	sshrl.u32 @!p3 s21, $0x3;
	[smem:$0x7FC] =	sst s25  }
0x51: {  	p3 =	seq.s32 s26, $0x1;
	s21 =	sadd.s32 $0x1800, s23;
	[dreg:$0xd] =	wrdreg s0  }
0x52: {  	s19 =	simm.s32 $0x100;
	s0 =	sshrl.u32 @!p3 s1, $0x3;
	[dreg:$0x1d] =	wrdreg s21  }
0x53: {  	s24 =	simm.s32 $0x11C00;
	[dreg:$0xe] =	wrdreg s0;
	p3 =	seq.s32 s2, $0x1  }
0x54: {  	s26 =	sadd.s32 $0x800, s23;
	s0 =	sshrl.u32 @!p3 s9, $0x3;
	s9 =	sld [smem:$0x7FA]  }
0x55: {  	s25 =	simm.s32 $0x1;
	[smem:$0x7FD] =	sst s26;
	s21 =	simm.s32 $0x180  }
0x56: {  	s26 =	simm.s32 $0x2;
	s2 =	simm.s32 $0x8;
	p3 =	seq.s32 s6, $0x1  }
0x57: {  	[dreg:$0xf] =	wrdreg s0;
	s0 =	sshrl.u32 @!p3 s7, $0x3;
	p3 =	seq.s32 s9, $0x1  }
0x58: {  	[dreg:$0x10] =	wrdreg s0;
	s0 =	sshrl.u32 @!p3 s12, $0x3;
	p3 =	sgt.s32 s22, $0x7  }
0x59: {  	s22 =	sadd.s32 $0x1400, s23;
	s12 =	simm.s32 $0x7;
	[dreg:$0x11] =	wrdreg s0  }
0x5a: {  	s0 =	sshrl.u32 @!p4 s11, $0x3;
	[dreg:$0x1e] =	wrdreg s22;
	s11 =	sadd.s32 $0x400, s23  }
0x5b: {  	s22 =	simm.s32 $0xDC00;
	[dreg:$0x12] =	wrdreg s0;
	s0 =	sshrl.u32 @!p5 s14, $0x3  }
0x5c: {  	s14 =	simm.s32 $0x0;
	[dreg:$0x13] =	wrdreg s0;
	s0 =	sshrl.u32 @!p0 s13, $0x3  }
0x5d: {  	s13 =	simm.s32 $0x9;
	[dreg:$0x14] =	wrdreg s0;
	s0 =	sshrl.u32 @!p1 s16, $0x3  }
.Ltmp0:
0x5e: {  	s16 =	sadd.s32 $0x2C00, s23;
	[dreg:$0x15] =	wrdreg s0;
	(pc) =	sbr.rel .LBB2_1-.Ltmp0, $4  }
0x5f: {  	s0 =	sshrl.u32 @!p2 s15, $0x3;
	s15 =	sadd.s32 $0x3000, s23;
	[dreg:$0x18] =	wrdreg s16  }
0x60: {  	s16 =	simm.s32 $0x80;
	[dreg:$0x16] =	wrdreg s0;
	s0 =	simm.s32 @!p3 $0x0  }
0x61: {  	s23 =	simm.s32 $0x200;
	[dreg:$0x17] =	wrdreg s15;
	s0 =	simm.s32 @p3 $0x1  }
0x62: {  	s15 =	simm.s32 $0xB;
	[smem:$0x7FB] =	sst s0;
	s0 =	simm.s32 $0xA  }
.LBB2_7:
0x63: {  	_ =	swait.ge [sflag:s12], $0x4000  }
0x64: {  	[sflag:s12] =	ssyncset.done $0x0  }
0x65: {  	[sflag:s12] =	ssyncadd.s32 $0xFFFFC000  }
0x66: {  	_ =	swait.ge [sflag:s2], $0x4000  }
0x67: {  	[sflag:s2] =	ssyncset.done $0x0  }
0x68: {  	s14 =	sadd.s32 $0x1, s14;
	[sflag:s2] =	ssyncadd.s32 $0xFFFFC000  }
0x69: {  	p3 =	sne.s32 s14, s10;
	_ =	swait.ge [sflag:s13], $0x4000  }
.Ltmp1:
0x6a: {  	[sflag:s13] =	ssyncset.done $0x0;
	(pc) =	sbr.rel @!p3 .LBB2_8-.Ltmp1, $4  }
0x6b: {  	[sflag:s13] =	ssyncadd.s32 $0xFFFFC000  }
0x6c: {  	_ =	swait.ge [sflag:s0], $0x4000  }
0x6d: {  	[sflag:s0] =	ssyncset.done $0x0  }
0x6e: {  	[sflag:s0] =	ssyncadd.s32 $0xFFFFC000  }
.LBB2_1:
0x6f: {  	s1 =	sld [smem:$0x7FB];
	_ =	sdelay $0x2  }
0x70: {  	p3 =	seq.s32 s1, $0x1  }
.Ltmp2:
0x71: {  	_ = 	snop;
	(pc) =	sbr.rel @p3 .LBB2_3-.Ltmp2, $1  }
0x72: {  	_ =	sdelay $0x3  }
0x73: {  	s1 =	sld [smem:$0x7F1];
	_ =	sdelay $0x2  }
0x74: {  	s6 =	rddreg [dreg:$0x8];
	p3 =	seq.s32 s1, $0x1  }
0x75: {  	s7 =	rddreg [dreg:$0x1d];
	s1 =	simm.s32 @!p3 $0x1D8B  }
0x76: {  	[spmem:s6], [sflag:s1] =	dma.local @!p3 [hbm:s7], $0x400  }
0x77: {  	s1 =	simm.s32 @!p3 $0xB  }
0x78: {  	_ =	swait.ge @!p3 [sflag:s1], $0x400  }
0x79: {  	s6 =	sld [smem:$0x7F2];
	_ =	sdelay $0x1  }
0x7a: {  	[sflag:s1] =	ssyncset.done @!p3 $0x0  }
0x7b: {  	s7 =	rddreg [dreg:$0x1c];
	[sflag:s1] =	ssyncadd.s32 @!p3 $0xFFFFFC00;
	p3 =	seq.s32 s6, $0x1  }
0x7c: {  	s6 =	rddreg [dreg:$0x9];
	s1 =	simm.s32 @!p3 $0x1DCB  }
0x7d: {  	[spmem:s6], [sflag:s1] =	dma.local @!p3 [hbm:s7], $0x400  }
0x7e: {  	s1 =	simm.s32 @!p3 $0xB  }
0x7f: {  	_ =	swait.ge @!p3 [sflag:s1], $0x400  }
0x80: {  	s7 =	sld [smem:$0x7F3];
	_ =	sdelay $0x1  }
0x81: {  	[sflag:s1] =	ssyncset.done @!p3 $0x0  }
0x82: {  	s6 =	rddreg [dreg:$0xa];
	[sflag:s1] =	ssyncadd.s32 @!p3 $0xFFFFFC00;
	p3 =	seq.s32 s7, $0x1  }
0x83: {  	s7 =	rddreg [dreg:$0x1f];
	s1 =	simm.s32 @!p3 $0x1D0B  }
0x84: {  	[spmem:s6], [sflag:s1] =	dma.local @!p3 [hbm:s7], $0x400  }
0x85: {  	s1 =	simm.s32 @!p3 $0xB  }
0x86: {  	_ =	swait.ge @!p3 [sflag:s1], $0x400  }
0x87: {  	s9 =	sld [smem:$0x7F4];
	_ =	sdelay $0x1  }
0x88: {  	[sflag:s1] =	ssyncset.done @!p3 $0x0  }
0x89: {  	s6 =	rddreg [dreg:$0xb];
	[sflag:s1] =	ssyncadd.s32 @!p3 $0xFFFFFC00;
	p3 =	seq.s32 s9, $0x1  }
0x8a: {  	s7 =	rddreg [dreg:$0x1e];
	s1 =	simm.s32 @!p3 $0x1D4B  }
0x8b: {  	[spmem:s6], [sflag:s1] =	dma.local @!p3 [hbm:s7], $0x400  }
0x8c: {  	s1 =	simm.s32 @!p3 $0xB  }
0x8d: {  	_ =	swait.ge @!p3 [sflag:s1], $0x400  }
0x8e: {  	s6 =	sld [smem:$0x7F5];
	_ =	sdelay $0x1  }
0x8f: {  	[sflag:s1] =	ssyncset.done @!p3 $0x0;
	s7 =	sld [smem:$0x7FD]  }
0x90: {  	[sflag:s1] =	ssyncadd.s32 @!p3 $0xFFFFFC00;
	p3 =	seq.s32 s6, $0x1  }
0x91: {  	s6 =	rddreg [dreg:$0xc];
	s1 =	simm.s32 @!p3 $0x1C8B  }
0x92: {  	[spmem:s6], [sflag:s1] =	dma.local @!p3 [hbm:s7], $0x400  }
0x93: {  	s1 =	simm.s32 @!p3 $0xB  }
0x94: {  	_ =	swait.ge @!p3 [sflag:s1], $0x400  }
0x95: {  	s7 =	sld [smem:$0x7F6];
	_ =	sdelay $0x1  }
0x96: {  	[sflag:s1] =	ssyncset.done @!p3 $0x0  }
0x97: {  	[sflag:s1] =	ssyncadd.s32 @!p3 $0xFFFFFC00;
	p3 =	seq.s32 s7, $0x1;
	s7 =	sld [smem:$0x7FC]  }
0x98: {  	_ = 	snop  }
0x99: {  	s6 =	rddreg [dreg:$0xd];
	s1 =	simm.s32 @!p3 $0x1CCB  }
0x9a: {  	[spmem:s6], [sflag:s1] =	dma.local @!p3 [hbm:s7], $0x400  }
0x9b: {  	s1 =	simm.s32 @!p3 $0xB  }
0x9c: {  	_ =	swait.ge @!p3 [sflag:s1], $0x400  }
0x9d: {  	[sflag:s1] =	ssyncset.done @!p3 $0x0  }
0x9e: {  	[sflag:s1] =	ssyncadd.s32 @!p3 $0xFFFFFC00  }
0x9f: {  	s9 =	simm.s32 @!p6 $0x1C0B;
	s1 =	sshrl.u32 @!p6 s3, $0x3;
	s6 =	rddreg [dreg:$0x1]  }
0xa0: {  	[spmem:s1], [sflag:s9] =	dma.local @!p6 [hbm:s6], $0x400  }
0xa1: {  	s1 =	simm.s32 @!p6 $0xB  }
0xa2: {  	_ =	swait.ge @!p6 [sflag:s1], $0x400  }
0xa3: {  	s9 =	sld [smem:$0x7F7];
	_ =	sdelay $0x2  }
0xa4: {  	[sflag:s1] =	ssyncset.done @!p6 $0x0;
	p3 =	seq.s32 s9, $0x1  }
0xa5: {  	s6 =	rddreg [dreg:$0xe];
	[sflag:s1] =	ssyncadd.s32 @!p6 $0xFFFFFC00;
	s1 =	simm.s32 @!p3 $0x1C4B  }
0xa6: {  	[spmem:s6], [sflag:s1] =	dma.local @!p3 [hbm:s11], $0x400  }
.Ltmp3:
0xa7: {  	_ = 	snop;
	(pc) =	sbr.rel .LBB2_4-.Ltmp3, $4  }
0xa8: {  	s1 =	simm.s32 @!p3 $0xB  }
0xa9: {  	_ =	swait.ge @!p3 [sflag:s1], $0x400  }
0xaa: {  	[sflag:s1] =	ssyncset.done @!p3 $0x0  }
0xab: {  	[sflag:s1] =	ssyncadd.s32 @!p3 $0xFFFFFC00  }
.LBB2_3:
0xac: {  	s1 =	sld [smem:$0x7F8];
	_ =	sdelay $0x2  }
0xad: {  	s6 =	rddreg [dreg:$0x6];
	p3 =	seq.s32 s1, $0x1  }
0xae: {  	s7 =	rddreg [dreg:$0xf];
	s1 =	simm.s32 @!p3 $0x1F8B  }
0xaf: {  	[spmem:s7], [sflag:s1] =	dma.local @!p3 [hbm:s6], $0x400  }
0xb0: {  	s1 =	simm.s32 @!p3 $0xB  }
0xb1: {  	_ =	swait.ge @!p3 [sflag:s1], $0x400  }
0xb2: {  	s7 =	sld [smem:$0x7F9];
	_ =	sdelay $0x1  }
0xb3: {  	[sflag:s1] =	ssyncset.done @!p3 $0x0  }
0xb4: {  	s6 =	rddreg [dreg:$0x5];
	[sflag:s1] =	ssyncadd.s32 @!p3 $0xFFFFFC00;
	p3 =	seq.s32 s7, $0x1  }
0xb5: {  	s7 =	rddreg [dreg:$0x10];
	s1 =	simm.s32 @!p3 $0x1FCB  }
0xb6: {  	[spmem:s7], [sflag:s1] =	dma.local @!p3 [hbm:s6], $0x280  }
0xb7: {  	s1 =	simm.s32 @!p3 $0xB  }
0xb8: {  	_ =	swait.ge @!p3 [sflag:s1], $0x280  }
0xb9: {  	s9 =	sld [smem:$0x7FA];
	_ =	sdelay $0x1  }
0xba: {  	[sflag:s1] =	ssyncset.done @!p3 $0x0  }
0xbb: {  	s6 =	rddreg [dreg:$0x11];
	[sflag:s1] =	ssyncadd.s32 @!p3 $0xFFFFFD80;
	p3 =	seq.s32 s9, $0x1  }
0xbc: {  	s7 =	rddreg [dreg:$0x17];
	s1 =	simm.s32 @!p3 $0x1F0B  }
0xbd: {  	[spmem:s6], [sflag:s1] =	dma.local @!p3 [hbm:s7], $0x400  }
0xbe: {  	s1 =	simm.s32 @!p3 $0xB  }
0xbf: {  	_ =	swait.ge @!p3 [sflag:s1], $0x400  }
0xc0: {  	[sflag:s1] =	ssyncset.done @!p3 $0x0;
	s6 =	rddreg [dreg:$0x7]  }
0xc1: {  	s7 =	rddreg [dreg:$0x12];
	[sflag:s1] =	ssyncadd.s32 @!p3 $0xFFFFFC00;
	s1 =	simm.s32 @!p4 $0x1F4B  }
0xc2: {  	[spmem:s7], [sflag:s1] =	dma.local @!p4 [hbm:s6], $0x400  }
0xc3: {  	s1 =	simm.s32 @!p4 $0xB  }
0xc4: {  	_ =	swait.ge @!p4 [sflag:s1], $0x400  }
0xc5: {  	[sflag:s1] =	ssyncset.done @!p4 $0x0;
	s6 =	rddreg [dreg:$0x13]  }
0xc6: {  	s7 =	rddreg [dreg:$0x19];
	[sflag:s1] =	ssyncadd.s32 @!p4 $0xFFFFFC00;
	s1 =	simm.s32 @!p5 $0x1E8B  }
0xc7: {  	[spmem:s6], [sflag:s1] =	dma.local @!p5 [hbm:s7], $0x400  }
0xc8: {  	s1 =	simm.s32 @!p5 $0xB  }
0xc9: {  	_ =	swait.ge @!p5 [sflag:s1], $0x400  }
0xca: {  	[sflag:s1] =	ssyncset.done @!p5 $0x0;
	s6 =	rddreg [dreg:$0x14]  }
0xcb: {  	s7 =	rddreg [dreg:$0x18];
	[sflag:s1] =	ssyncadd.s32 @!p5 $0xFFFFFC00;
	s1 =	simm.s32 @!p0 $0x1ECB  }
0xcc: {  	[spmem:s6], [sflag:s1] =	dma.local @!p0 [hbm:s7], $0x400  }
0xcd: {  	s1 =	simm.s32 @!p0 $0xB  }
0xce: {  	_ =	swait.ge @!p0 [sflag:s1], $0x400  }
0xcf: {  	[sflag:s1] =	ssyncset.done @!p0 $0x0;
	s6 =	rddreg [dreg:$0x15]  }
0xd0: {  	s7 =	rddreg [dreg:$0x1b];
	[sflag:s1] =	ssyncadd.s32 @!p0 $0xFFFFFC00;
	s1 =	simm.s32 @!p1 $0x1E0B  }
0xd1: {  	[spmem:s6], [sflag:s1] =	dma.local @!p1 [hbm:s7], $0x400  }
0xd2: {  	s1 =	simm.s32 @!p1 $0xB  }
0xd3: {  	_ =	swait.ge @!p1 [sflag:s1], $0x400  }
0xd4: {  	[sflag:s1] =	ssyncset.done @!p1 $0x0;
	s6 =	rddreg [dreg:$0x16]  }
0xd5: {  	s7 =	rddreg [dreg:$0x1a];
	[sflag:s1] =	ssyncadd.s32 @!p1 $0xFFFFFC00;
	s1 =	simm.s32 @!p2 $0x1E4B  }
0xd6: {  	[spmem:s6], [sflag:s1] =	dma.local @!p2 [hbm:s7], $0x400  }
0xd7: {  	s1 =	simm.s32 @!p2 $0xB  }
0xd8: {  	_ =	swait.ge @!p2 [sflag:s1], $0x400  }
0xd9: {  	[sflag:s1] =	ssyncset.done @!p2 $0x0  }
0xda: {  	[sflag:s1] =	ssyncadd.s32 @!p2 $0xFFFFFC00  }
.LBB2_4:
0xdb: {  	s1 =	simm.s32 $0x0;
	s6 =	simm.s32 $0x400;
	s7 =	simm.s32 $0x8000  }
0xdc: {  	[tilespmem:s1], [sflag:$0xB] =	stream.strided.gather [hbm4b:s8+s6], $0x1800, s7, s6, $0x38;
	[tilespmem:$0x17B40] =	vst v63  }
0xdd: {  	s9 =	sadd.s32 $0x6000, s8;
	s7 =	simm.s32 $0x1800  }
0xde: {  	[tilespmem:s7], [sflag:$0xB] =	stream.linear.gather [hbm4b:s9+s1], $0x100, $0x38;
	[tilespmem:$0x17B40] =	vst v63  }
0xdf: {  	_ =	swait.ge [sflag:s15], $0x1900  }
0xe0: {  	[sflag:s15] =	ssyncset.done $0x0  }
0xe1: {  	[sflag:s15] =	ssyncadd.s32 $0xFFFFE700  }
0xe2: {  	[bflag:$0x0] =	sbarrier.arrive $0xFFFF  }
0xe3: {  	[tilespmem:s17], [sflag:$0x1] =	stream.indirect.gather [spmem:s3], $0x80, s1, s16, $0xb8;
	[tilespmem:$0x17B40] =	vst v63  }
0xe4: {  	_ = 	snop  }
0xe5: {  	[tilespmem:s18], [sflag:$0x2] =	stream.indirect.gather [spmem:s3], $0x80, s16, s16, $0xb8;
	[tilespmem:$0x17B40] =	vst v63  }
0xe6: {  	_ = 	snop  }
0xe7: {  	[tilespmem:s20], [sflag:$0x3] =	stream.indirect.gather [spmem:s3], $0x80, s19, s16, $0xb8;
	[tilespmem:$0x17B40] =	vst v63  }
0xe8: {  	_ = 	snop  }
0xe9: {  	[tilespmem:s22], [sflag:$0x4] =	stream.indirect.gather [spmem:s3], $0x80, s21, s16, $0xb8;
	[tilespmem:$0x17B40] =	vst v63  }
0xea: {  	s9 =	smov.u32 s5  }
0xeb: {  	[tilespmem:s24], [sflag:$0x5] =	stream.indirect.gather [spmem:s3], $0x80, s23, s16, $0xb8;
	[tilespmem:$0x17B40] =	vst v63  }
.LBB2_5:
0xec: {  	_ =	swait.ge [sflag:s25], $0x4000  }
0xed: {  	[sflag:s25] =	ssyncset.done $0x0  }
0xee: {  	[sflag:s25] =	ssyncadd.s32 $0xFFFFC000  }
0xef: {  	[hbm4b:s9+s4] =	stream.linear.scatter [tilespmem:s17], [sflag:$0x6], $0x4000, $0x38;
	[tilespmem:$0x17B40] =	vst v63  }
0xf0: {  	_ =	swait.ge [sflag:s26], $0x4000  }
0xf1: {  	[sflag:s26] =	ssyncset.done $0x0  }
0xf2: {  	s6 =	sadd.s32 $0x10000, s9;
	[sflag:s26] =	ssyncadd.s32 $0xFFFFC000  }
0xf3: {  	[hbm4b:s6+s4] =	stream.linear.scatter [tilespmem:s18], [sflag:$0x7], $0x4000, $0x38;
	[tilespmem:$0x17B40] =	vst v63  }
0xf4: {  	_ =	swait.ge [sflag:s28], $0x4000  }
0xf5: {  	[sflag:s28] =	ssyncset.done $0x0  }
0xf6: {  	s7 =	sadd.s32 $0x20000, s9;
	[sflag:s28] =	ssyncadd.s32 $0xFFFFC000  }
0xf7: {  	[hbm4b:s7+s4] =	stream.linear.scatter [tilespmem:s20], [sflag:$0x8], $0x4000, $0x38;
	[tilespmem:$0x17B40] =	vst v63  }
0xf8: {  	_ =	swait.ge [sflag:s29], $0x4000  }
0xf9: {  	[sflag:s29] =	ssyncset.done $0x0  }
0xfa: {  	s7 =	sadd.s32 $0x30000, s9;
	[sflag:s29] =	ssyncadd.s32 $0xFFFFC000  }
0xfb: {  	[hbm4b:s7+s4] =	stream.linear.scatter [tilespmem:s22], [sflag:$0x9], $0x4000, $0x38;
	[tilespmem:$0x17B40] =	vst v63  }
0xfc: {  	_ =	swait.ge [sflag:s30], $0x4000  }
0xfd: {  	p3 =	seq.s32 s1, $0x5A00;
	[sflag:s30] =	ssyncset.done $0x0  }
.Ltmp4:
0xfe: {  	s7 =	sadd.s32 $0x40000, s9;
	[sflag:s30] =	ssyncadd.s32 $0xFFFFC000;
	(pc) =	sbr.rel @p3 .LBB2_7-.Ltmp4, $4  }
0xff: {  	[hbm4b:s7+s4] =	stream.linear.scatter [tilespmem:s24], [sflag:$0xA], $0x4000, $0x38;
	[tilespmem:$0x17B40] =	vst v63  }
0x100: {  	_ =	swait.ge [sflag:s31], $0x4000  }
0x101: {  	[sflag:s31] =	ssyncset.done $0x0  }
0x102: {  	[sflag:s31] =	ssyncadd.s32 $0xFFFFC000  }
0x103: {  	s6 =	sshra.s32 s1, $0x2  }
0x104: {  	s7 =	sadd.s32 $0x280, s6  }
0x105: {  	[tilespmem:s17], [sflag:$0x1] =	stream.indirect.gather [spmem:s3], $0x80, s7, s16, $0xb8;
	[tilespmem:$0x17B40] =	vst v63  }
0x106: {  	_ =	swait.ge [sflag:s12], $0x4000  }
0x107: {  	[sflag:s12] =	ssyncset.done $0x0  }
0x108: {  	s7 =	sadd.s32 $0x300, s6;
	[sflag:s12] =	ssyncadd.s32 $0xFFFFC000  }
0x109: {  	[tilespmem:s18], [sflag:$0x2] =	stream.indirect.gather [spmem:s3], $0x80, s7, s16, $0xb8;
	[tilespmem:$0x17B40] =	vst v63  }
0x10a: {  	_ =	swait.ge [sflag:s2], $0x4000  }
0x10b: {  	[sflag:s2] =	ssyncset.done $0x0  }
0x10c: {  	s7 =	sadd.s32 $0x380, s6;
	[sflag:s2] =	ssyncadd.s32 $0xFFFFC000  }
0x10d: {  	[tilespmem:s20], [sflag:$0x3] =	stream.indirect.gather [spmem:s3], $0x80, s7, s16, $0xb8;
	[tilespmem:$0x17B40] =	vst v63  }
0x10e: {  	_ =	swait.ge [sflag:s13], $0x4000  }
0x10f: {  	[sflag:s13] =	ssyncset.done $0x0  }
0x110: {  	s7 =	sadd.s32 $0x400, s6;
	[sflag:s13] =	ssyncadd.s32 $0xFFFFC000  }
0x111: {  	[tilespmem:s22], [sflag:$0x4] =	stream.indirect.gather [spmem:s3], $0x80, s7, s16, $0xb8;
	[tilespmem:$0x17B40] =	vst v63  }
.Ltmp5:
0x112: {  	_ = 	snop;
	(pc) =	sbr.rel .LBB2_5-.Ltmp5, $4  }
0x113: {  	_ =	swait.ge [sflag:s0], $0x4000  }
0x114: {  	s1 =	sadd.s32 $0xA00, s1;
	[sflag:s0] =	ssyncset.done $0x0  }
0x115: {  	s9 =	sadd.s32 $0x50000, s9;
	s6 =	sadd.s32 $0x480, s6;
	[sflag:s0] =	ssyncadd.s32 $0xFFFFC000  }
0x116: {  	[tilespmem:s24], [sflag:$0x5] =	stream.indirect.gather [spmem:s3], $0x80, s6, s16, $0xb8;
	[tilespmem:$0x17B40] =	vst v63  }
.LBB2_8:
0x117: {  	_ =	sfence.sel $0x180000  }
0x118: {  	[bflag:$0x0] =	sbarrier.arrive $0xFFFF  }
0x119: {  	_ =	strace $0x90000047  }
0x11a: {  	s0 =	stileid.u32;
	[bflag:$0x2] =	sbarrier.arrive $0xFFFF  }
0x11b: {  	p0 =	sne.s32 s0, $0x0;
	s0 =	rddreg [dreg:$0x4]  }
0x11c: {  	s0 =	sadd.s32 @!p0 $0x100000, s0  }
0x11d: {  	[sflag:s0] =	ssyncadd.tile.s32 @!p0 $0x1;
	_ =	shalt  }
.Lfunc_end2:
_tile_overlayer_lowered:
.L_overlay_start_2:
0x11e: {  	(tag) =	ssettag $0x2  }
0x11f: {  	s0 =	rddreg [dreg:$0x0];
	s2 =	stileid.u32  }
0x120: {  	s1 =	rddreg [dreg:$0x1];
	p0 =	sne.s32 s2, $0x0  }
0x121: {  	s3 =	rddreg [dreg:$0x2];
	[bflag:$0x3] =	sbarrier.arrive $0xFFFF;
	s2 =	simm.s32 @!p0 $0x1C0B  }
0x122: {  	[timem:s3], [sflag:s2] =	dma.local @!p0 [hbm:s0], s1  }
0x123: {  	s0 =	simm.s32 @!p0 $0xB  }
0x124: {  	_ =	swait.ge @!p0 [sflag:s0], s1  }
0x125: {  	s1 =	ssub.s32 @!p0 $0x0, s1;
	[sflag:s0] =	ssyncset.done @!p0 $0x0  }
0x126: {  	[sflag:s0] =	ssyncadd.s32 @!p0 s1  }
0x127: {  	[bflag:$0x3] =	sbarrier.arrive $0xFFFF  }
0x128: {  	_ =	shalt  }

</sc_bundles>
